<compile_context>
chip_gen: v7x
topology: tpu7x:2x2x1
jax: 0.10.2.dev20260603
libtpu: 0.0.44.dev20260713+nightly
codegen_flags: <defaults>
</compile_context>

<pallas_src>
import functools

import jax
import jax.numpy as jnp
from jax import lax
from jax.experimental import pallas as pl
from jax.experimental.pallas import tpu as pltpu
from jax.experimental.pallas import tpu_sc as plsc

NC, NS, L = 2, 16, 16
NW = NC * NS
N = 131072
C = 64
D, W, H = 5, 400, 352
CP = 128
NCELLS = D * W * H
P = N // NW
CW = NCELLS // NW
SENT = 1 << 30

ZB = (-3.0, -2.2, -1.4000000000000004, -0.5999999999999996,
      0.20000000000000018, 1.0000000000000002)

_mesh = plsc.VectorSubcoreMesh(core_axis_name="c", subcore_axis_name="s")


def _wid():
    return lax.axis_index("s") * NC + lax.axis_index("c")


@functools.partial(
    pl.kernel, mesh=_mesh,
    out_type=jax.ShapeDtypeStruct((N,), jnp.int32),
    scratch_types=[
        pltpu.VMEM((P,), jnp.float32),
        pltpu.VMEM((P,), jnp.float32),
        pltpu.VMEM((P,), jnp.float32),
        pltpu.VMEM((P,), jnp.int32),
    ],
)
def _cells_k(x_hbm, y_hbm, z_hbm, cells_hbm, xv, yv, zv, cv):
    base = _wid() * P
    pltpu.sync_copy(x_hbm.at[pl.ds(base, P)], xv)
    pltpu.sync_copy(y_hbm.at[pl.ds(base, P)], yv)
    pltpu.sync_copy(z_hbm.at[pl.ds(base, P)], zv)

    def body(i, _):
        sl = pl.ds(i * L, L)
        xs, ys, zs = xv[sl], yv[sl], zv[sl]
        xi = jnp.clip((-ys / 0.2).astype(jnp.int32) + 200, 0, W - 1)
        yi = jnp.clip((-xs / 0.2).astype(jnp.int32) + 352, 0, H - 1)
        zb = (jnp.where(zs >= ZB[1], 1, 0) + jnp.where(zs >= ZB[2], 1, 0)
              + jnp.where(zs >= ZB[3], 1, 0) + jnp.where(zs >= ZB[4], 1, 0))
        valid = (zs >= ZB[0]) & (zs < ZB[5])
        cell = zb * (W * H) + (W - 1 - xi) * H + (H - 1 - yi)
        cv[sl] = jnp.where(valid, cell, SENT)
        return 0

    lax.fori_loop(0, P // L, body, 0)
    pltpu.sync_copy(cv, cells_hbm.at[pl.ds(base, P)])


CH = 8192


@functools.partial(
    pl.kernel, mesh=_mesh,
    out_type=jax.ShapeDtypeStruct((NCELLS,), jnp.int32),
    scratch_types=[
        pltpu.VMEM((CW,), jnp.int32),
        pltpu.VMEM((CH,), jnp.int32),
    ],
    compiler_params=pltpu.CompilerParams(needs_layout_passes=False),
)
def _winner_k(cells_hbm, win_hbm, win_v, cb):
    cbase = _wid() * CW

    def init(j, _):
        win_v[pl.ds(j * L, L)] = jnp.full((L,), -1, jnp.int32)
        return 0

    lax.fori_loop(0, CW // L, init, 0)

    def chunk(ch, _):
        pltpu.sync_copy(cells_hbm.at[pl.ds(ch * CH, CH)], cb)

        def body(j, _):
            cvv = cb[pl.ds(j * L, L)]
            n = ch * CH + j * L + lax.iota(jnp.int32, L)
            rel = cvv - cbase
            msk = (rel >= 0) & (rel < CW)
            relc = jnp.clip(rel, 0, CW - 1)
            plsc.store_scatter(win_v, [relc], n, mask=msk)
            return 0

        lax.fori_loop(0, CH // L, body, 0)
        return 0

    lax.fori_loop(0, N // CH, chunk, 0)
    pltpu.sync_copy(win_v, win_hbm.at[pl.ds(cbase, CW)])


CHK = 128
NCHMAX = P // CHK
NTMAX = CHK // L


@functools.partial(
    pl.kernel, mesh=_mesh,
    out_type=jax.ShapeDtypeStruct((NCELLS, CP), jnp.float32),
    scratch_types=[
        pltpu.VMEM((P,), jnp.int32),
        pltpu.VMEM((P,), jnp.int32),
        pltpu.VMEM((P,), jnp.int32),
        pltpu.VMEM((P,), jnp.int32),
        pltpu.VMEM((NCHMAX, CHK), jnp.int32),
        pltpu.VMEM((NTMAX, L), jnp.int32),
        pltpu.VMEM((CHK, CP), jnp.float32),
        pltpu.VMEM((L, CP), jnp.float32),
        pltpu.VMEM_SHARED((NCELLS,), jnp.int32),
        pltpu.SemaphoreType.DMA,
        pltpu.SemaphoreType.DMA,
    ],
    compiler_params=pltpu.CompilerParams(needs_layout_passes=False),
)
def _expand_k(cells_hbm, win_hbm, valst_hbm, out_hbm,
              cell_v, gwin_v, gn_v, ocell_v, ocell2d, ocellt,
              rows_v, rowst_v, win_sh, gsem, ssem):
    sid = lax.axis_index("s")
    wid = _wid()
    pbase = wid * P

    @pl.when(sid == 0)
    def _():
        pltpu.sync_copy(win_hbm, win_sh)

    pltpu.sync_copy(cells_hbm.at[pl.ds(pbase, P)], cell_v)

    def clampc(j, _):
        sl = pl.ds(j * L, L)
        gn_v[sl] = jnp.minimum(cell_v[sl], NCELLS - 1)
        return 0

    lax.fori_loop(0, P // L, clampc, 0)
    plsc.subcore_barrier()
    pltpu.async_copy(win_sh.at[gn_v], gwin_v, gsem).wait()

    def compact(j, cnt):
        sl = pl.ds(j * L, L)
        lane = lax.iota(jnp.int32, L)
        n = pbase + j * L + lane
        m = gwin_v[sl] == n
        plsc.store_compressed(gn_v.at[pl.ds(cnt, L)], n, mask=m)
        plsc.store_compressed(ocell_v.at[pl.ds(cnt, L)], cell_v[sl], mask=m)
        return cnt + jnp.max(plsc.all_reduce_population_count(m))

    cnt = lax.fori_loop(0, P // L, compact, jnp.int32(0))
    nfull = cnt >> 7
    nv16 = (cnt + L - 1) >> 4

    first_n = gn_v[pl.ds(0, L)][0]
    first_cell = ocell_v[pl.ds(0, L)][0]

    def pad(k, _):
        sl = pl.ds(k * L, L)
        pos = k * L + lax.iota(jnp.int32, L)
        pm = pos >= cnt
        ocell_v[sl] = jnp.where(pm, first_cell, ocell_v[sl])
        gn_v[sl] = jnp.where(pm, first_n, gn_v[sl])
        return 0

    lax.fori_loop(cnt >> 4, nv16, pad, 0)

    def repack(v, _):
        sl = pl.ds(v * L, L)
        j = v >> 3
        u = v - ((v >> 3) << 3)

        @pl.when(v < (nfull << 3))
        def _():
            ocell2d[j, pl.ds(u * L, L)] = ocell_v[sl]

        @pl.when(v >= (nfull << 3))
        def _():
            ocellt[v - (nfull << 3), :] = ocell_v[sl]

        return 0

    lax.fori_loop(0, nv16, repack, 0)

    def chunk(j, _):
        pltpu.async_copy(
            valst_hbm.at[gn_v.at[pl.ds(j * CHK, CHK)]], rows_v, gsem).wait()
        pltpu.async_copy(rows_v, out_hbm.at[ocell2d.at[j]], ssem).wait()
        return 0

    lax.fori_loop(0, nfull, chunk, 0)

    def tail(v, _):
        t = v - (nfull << 3)
        pltpu.async_copy(
            valst_hbm.at[gn_v.at[pl.ds(v * L, L)]], rowst_v, gsem).wait()
        pltpu.async_copy(rowst_v, out_hbm.at[ocellt.at[t]], ssem).wait()
        return 0

    lax.fori_loop(nfull << 3, nv16, tail, 0)


TBLK = 4096
FBLK = 5632


def _valst_body(v_ref, o_ref):
    t = jnp.transpose(v_ref[...], (1, 0))
    o_ref[...] = jnp.concatenate(
        [t, jnp.zeros((TBLK, CP - C), jnp.float32)], axis=1)


def _valst_k(vals2d):
    return pl.pallas_call(
        _valst_body,
        out_shape=jax.ShapeDtypeStruct((N, CP), jnp.float32),
        grid=(N // TBLK,),
        in_specs=[pl.BlockSpec((C, TBLK), lambda i: (0, i))],
        out_specs=pl.BlockSpec((TBLK, CP), lambda i: (i, 0)),
    )(vals2d)


def _final_body(t_ref, w_ref, o_ref):
    wb = w_ref[0, 0, :]
    t = jnp.transpose(t_ref[...], (1, 0))[:C, :]
    o_ref[...] = jnp.where((wb >= 0)[None, :], t, 0.0)


def _final_k(out2d, win3d):
    return pl.pallas_call(
        _final_body,
        out_shape=jax.ShapeDtypeStruct((C, NCELLS), jnp.float32),
        grid=(NCELLS // FBLK,),
        in_specs=[
            pl.BlockSpec((FBLK, CP), lambda i: (i, 0)),
            pl.BlockSpec((1, 1, FBLK), lambda i: (i, 0, 0)),
        ],
        out_specs=pl.BlockSpec((C, FBLK), lambda i: (0, i)),
    )(out2d, win3d)


def kernel(range_res, rangemap_xyz):
    x = rangemap_xyz[0, 0].reshape(N)
    y = rangemap_xyz[0, 1].reshape(N)
    z = rangemap_xyz[0, 2].reshape(N)
    vals2d = range_res[0].reshape(C, N)
    cells = _cells_k(x, y, z)
    win = _winner_k(cells)
    valst = _valst_k(vals2d)
    out2d = _expand_k(cells, win, valst)
    out = _final_k(out2d, win.reshape(NCELLS // FBLK, 1, FBLK))
    return out.reshape(1, C, D, W, H)

# --- scband reference (transcript-rebuilt; emitter-appended) ---
"""Pipeline reference for scband-range2-bev-35931696399119 (READ-ONLY COPY).

The authoritative reference and input builder live on the scoring server;
editing this copy changes nothing except your own understanding.
"""

import jax, jax.numpy as jnp
import numpy as np

X_RANGE = (0.0, 70.4)
Y_RANGE = (-40.0, 40.0)
Z_RANGE = (-3.0, 1.0)
RES = 0.2
Z_RES = 0.8
W = int((Y_RANGE[1] - Y_RANGE[0]) / RES)            # 400
H = int((X_RANGE[1] - X_RANGE[0]) / RES)            # 352
D = int((Z_RANGE[1] - Z_RANGE[0]) / Z_RES)          # 5
X_OFF = int(np.floor(Y_RANGE[0] / RES))             # -200
Y_OFF = int(np.floor(X_RANGE[1] / RES))             # 352
X_MAX = int((Y_RANGE[1] - Y_RANGE[0]) / RES - 1)    # 399
Y_MAX = int((X_RANGE[1] - X_RANGE[0]) / RES - 1)    # 351


def _range2bev(range_res, rangemap_xyz):
    B, C, RH, RW = range_res.shape
    N = RH * RW
    bev_batches = []
    for b in range(B):
        scan = rangemap_xyz[b].reshape(3, N).T          # [N, 3]
        point = range_res[b].reshape(C, N).T            # [N, C]
        x_points = scan[:, 0]
        y_points = scan[:, 1]
        z_points = scan[:, 2]
        # .long() in torch truncates toward zero; astype(int32) matches
        x_img = (-y_points / RES).astype(jnp.int32) - X_OFF
        y_img = (-x_points / RES).astype(jnp.int32) + Y_OFF
        x_img = jnp.clip(x_img, 0, X_MAX)
        y_img = jnp.clip(y_img, 0, Y_MAX)
        ims = []
        for i in range(D):
            height = Z_RANGE[0] + i * Z_RES
            z_filt = jnp.logical_and(z_points >= height, z_points < height + Z_RES)
            # masked-out points get an out-of-range row index -> dropped by scatter
            xi = jnp.where(z_filt, x_img, W)
            im = jnp.zeros((W, H, C), dtype=jnp.float32).at[xi, y_img].set(point, mode='drop')
            im = jnp.flip(im, axis=(0, 1))
            ims.append(im[..., None])
        bev_b = jnp.concatenate(ims, axis=3)            # [W, H, C, D]
        bev_batches.append(bev_b[None])
    bev = jnp.concatenate(bev_batches, axis=0)          # [B, W, H, C, D]
    return jnp.transpose(bev, (0, 3, 4, 1, 2))          # [B, C, D, W, H]


def setup_inputs(seed: int = 0) -> dict:
    key = jax.random.key(seed)
    k1, k2, k3, k4 = jax.random.split(key, 4)
    B, C, RH, RW = 1, 64, 64, 2048
    range_res = jax.random.normal(k1, (B, C, RH, RW), dtype=jnp.float32)
    # realistic lidar point spread: x forward [~0, 70], y lateral [-40, 40], z height [-3, 1]
    x = jax.random.normal(k2, (B, 1, RH, RW)) * 20.0 + 30.0
    y = jax.random.normal(k3, (B, 1, RH, RW)) * 15.0
    z = jax.random.normal(k4, (B, 1, RH, RW)) * 1.2 - 1.0
    rangemap_xyz = jnp.concatenate([x, y, z], axis=1).astype(jnp.float32)
    return {"range_res": range_res, "rangemap_xyz": rangemap_xyz}


def reference(range_res, rangemap_xyz):
    return _range2bev(range_res, rangemap_xyz)

if __name__ == "__main__":
    import jax
    _d = setup_inputs()
    print(jax.jit(kernel)(*tuple(_d.values())))

</pallas_src>

<mosaic_0001>
#map = affine_map<(d0, d1) -> (0)>
#map1 = affine_map<(d0, d1) -> (0, 0)>
module attributes {stable_mosaic.version = 14 : i64} {
  func.func @_expand_k(%arg0: i32, %arg1: i32, %arg2: memref<131072xi32, #tpu.memory_space<hbm>>, %arg3: memref<704000xi32, #tpu.memory_space<hbm>>, %arg4: memref<131072x128xf32, #tpu.memory_space<hbm>>, %arg5: memref<704000x128xf32, #tpu.memory_space<hbm>>, %arg6: memref<4096xi32, #tpu.memory_space<vmem>>, %arg7: memref<4096xi32, #tpu.memory_space<vmem>>, %arg8: memref<4096xi32, #tpu.memory_space<vmem>>, %arg9: memref<4096xi32, #tpu.memory_space<vmem>>, %arg10: memref<32x128xi32, #tpu.memory_space<vmem>>, %arg11: memref<8x16xi32, #tpu.memory_space<vmem>>, %arg12: memref<128x128xf32, #tpu.memory_space<vmem>>, %arg13: memref<16x128xf32, #tpu.memory_space<vmem>>, %arg14: memref<704000xi32, #tpu.memory_space<vmem_shared>>, %arg15: memref<!tpu.dma_semaphore, #tpu.memory_space<semaphore_mem>>, %arg16: memref<!tpu.dma_semaphore, #tpu.memory_space<semaphore_mem>>) attributes {dimension_semantics = [#tpu.dimension_semantics<core_parallel>, #tpu.dimension_semantics<subcore_parallel>], iteration_bounds = array<i64: 2, 16>, scalar_prefetch = 0 : i64, scratch_operands = 11 : i64, tpu.core_type = #tpu.core_type<sc_vector_subcore>, window_params = [{transform_indices = #map}, {transform_indices = #map}, {transform_indices = #map1}, {transform_indices = #map1}]} {
    %mul3A = arith.constant 2 : i32
    %mul3A_0 = arith.muli %arg1, %mul3A : i32
    %add3A = arith.addi %mul3A_0, %arg0 : i32
    %mul3A_1 = arith.constant 4096 : i32
    %mul3A_2 = arith.muli %add3A, %mul3A_1 : i32
    %eq3A = arith.constant 0 : i32
    %eq3A_3 = arith.cmpi eq, %arg1, %eq3A : i32
    %convert_element_type3A = arith.extui %eq3A_3 : i1 to i32
    %cond3A = arith.constant 0 : i32
    %cond3A_4 = arith.cmpi ne, %convert_element_type3A, %cond3A : i32
    scf.if %cond3A_4 {
      "tpu.region"() ({
        %run_scoped3A = tpu.sem_alloc : memref<!tpu.dma_semaphore, #tpu.memory_space<semaphore_mem>>
        tpu.enqueue_dma source(%arg3 : memref<704000xi32, #tpu.memory_space<hbm>>) target(%arg14 : memref<704000xi32, #tpu.memory_space<vmem_shared>>) target_semaphore(%run_scoped3A : memref<!tpu.dma_semaphore, #tpu.memory_space<semaphore_mem>>)
        tpu.wait_dma2 semaphore(%run_scoped3A : memref<!tpu.dma_semaphore, #tpu.memory_space<semaphore_mem>>) src(%arg3 : memref<704000xi32, #tpu.memory_space<hbm>>) dst(%arg14 : memref<704000xi32, #tpu.memory_space<vmem_shared>>)
        tpu.yield
      }) : () -> ()
    } else {
    }
    "tpu.region"() ({
      %run_scoped3A = tpu.sem_alloc : memref<!tpu.dma_semaphore, #tpu.memory_space<semaphore_mem>>
      %dma_start3A_79 = tpu.memref_slice %arg2[%mul3A_2] : memref<131072xi32, #tpu.memory_space<hbm>> -> memref<4096xi32, #tpu.memory_space<hbm>>
      %dma_start3A_80 = tpu.memref_slice %arg2[%mul3A_2] : memref<131072xi32, #tpu.memory_space<hbm>> -> memref<4096xi32, #tpu.memory_space<hbm>>
      tpu.enqueue_dma source(%dma_start3A_80 : memref<4096xi32, #tpu.memory_space<hbm>>) target(%arg6 : memref<4096xi32, #tpu.memory_space<vmem>>) target_semaphore(%run_scoped3A : memref<!tpu.dma_semaphore, #tpu.memory_space<semaphore_mem>>)
      %dma_wait3A_81 = tpu.memref_slice %arg2[%mul3A_2] : memref<131072xi32, #tpu.memory_space<hbm>> -> memref<4096xi32, #tpu.memory_space<hbm>>
      %dma_wait3A_82 = tpu.memref_slice %arg2[%mul3A_2] : memref<131072xi32, #tpu.memory_space<hbm>> -> memref<4096xi32, #tpu.memory_space<hbm>>
      tpu.wait_dma2 semaphore(%run_scoped3A : memref<!tpu.dma_semaphore, #tpu.memory_space<semaphore_mem>>) src(%dma_wait3A_82 : memref<4096xi32, #tpu.memory_space<hbm>>) dst(%arg6 : memref<4096xi32, #tpu.memory_space<vmem>>)
      tpu.yield
    }) : () -> ()
    %scan3A = arith.constant 0 : i32
    %scan3A_5 = arith.constant 0 : i32
    %scan3A_6 = arith.constant 256 : i32
    %scan3A_7 = arith.addi %scan3A_5, %scan3A_6 : i32
    %scan3A_8 = arith.constant 1 : i32
    %scan3A_9 = scf.for %scan3A_79 = %scan3A_5 to %scan3A_7 step %scan3A_8 iter_args(%scan3A_80 = %scan3A) -> (i32)  : i32 {
      %mul3A_81 = arith.constant 16 : i32
      %mul3A_82 = arith.muli %scan3A_79, %mul3A_81 : i32
      %get3A_83 = arith.index_cast %mul3A_82 : i32 to index
      %get3A_84 = tpu.vector_load %arg6[%get3A_83] {strides = array<i32>} : memref<4096xi32, #tpu.memory_space<vmem>>, vector<16xi32>,
      %min3A = arith.constant 703999 : i32
      %min3A_85 = vector.broadcast %min3A : i32 to vector<16xi32>
      %min3A_86 = arith.minsi %get3A_84, %min3A_85 : vector<16xi32>
      %swap3A = arith.index_cast %mul3A_82 : i32 to index
      %swap3A_87 = tpu.vector_load %arg8[%swap3A] {strides = array<i32>} : memref<4096xi32, #tpu.memory_space<vmem>>, vector<16xi32>,
      %swap3A_88 = vector.shape_cast %swap3A_87 : vector<16xi32> to vector<16xi32>
      %swap3A_89 = vector.shape_cast %min3A_86 : vector<16xi32> to vector<16xi32>
      tpu.vector_store %arg8[%swap3A], %swap3A_89 {strides = array<i32>} : memref<4096xi32, #tpu.memory_space<vmem>>, vector<16xi32>,
      %scan3A_90 = arith.constant 0 : i32
      scf.yield %scan3A_90 : i32
    }
    %scan3A_10 = arith.constant 256 : i32
    %barrier3A = arith.constant 0 : index
    tpu.barrier barrier_id(%barrier3A)
    %dma_start3A = arith.constant 0 : i32
    %dma_start3A_11 = tpu.memref_slice %arg14[%dma_start3A] : memref<704000xi32, #tpu.memory_space<vmem_shared>> -> memref<704000xi32, #tpu.memory_space<vmem_shared>>
    tpu.enqueue_indirect_dma source(%dma_start3A_11 : memref<704000xi32, #tpu.memory_space<vmem_shared>>) target(%arg7 : memref<4096xi32, #tpu.memory_space<vmem>>) offsets(%arg8 : memref<4096xi32, #tpu.memory_space<vmem>>) semaphore(%arg15 : memref<!tpu.dma_semaphore, #tpu.memory_space<semaphore_mem>>)
    %dma_wait3A = arith.constant 0 : i32
    %dma_wait3A_12 = tpu.memref_slice %arg14[%dma_wait3A] : memref<704000xi32, #tpu.memory_space<vmem_shared>> -> memref<704000xi32, #tpu.memory_space<vmem_shared>>
    tpu.wait_indirect_dma semaphore(%arg15 : memref<!tpu.dma_semaphore, #tpu.memory_space<semaphore_mem>>) src(%dma_wait3A_12 : memref<704000xi32, #tpu.memory_space<vmem_shared>>) dst(%arg7 : memref<4096xi32, #tpu.memory_space<vmem>>)
    %scan3A_13 = arith.constant 0 : i32
    %scan3A_14 = arith.constant 0 : i32
    %scan3A_15 = arith.constant 256 : i32
    %scan3A_16 = arith.addi %scan3A_14, %scan3A_15 : i32
    %scan3A_17 = arith.constant 1 : i32
    %scan3A_18 = scf.for %scan3A_79 = %scan3A_14 to %scan3A_16 step %scan3A_17 iter_args(%scan3A_80 = %scan3A_13) -> (i32)  : i32 {
      %mul3A_81 = arith.constant 16 : i32
      %mul3A_82 = arith.muli %scan3A_79, %mul3A_81 : i32
      %iota3A = tpu.iota {dimensions = array<i32: 0>} : vector<16xi32>
      %mul3A_83 = arith.constant 16 : i32
      %mul3A_84 = arith.muli %scan3A_79, %mul3A_83 : i32
      %add3A_85 = arith.addi %mul3A_2, %mul3A_84 : i32
      %add3A_86 = vector.broadcast %add3A_85 : i32 to vector<16xi32>
      %add3A_87 = arith.addi %add3A_86, %iota3A : vector<16xi32>
      %get3A_88 = arith.index_cast %mul3A_82 : i32 to index
      %get3A_89 = tpu.vector_load %arg7[%get3A_88] {strides = array<i32>} : memref<4096xi32, #tpu.memory_space<vmem>>, vector<16xi32>,
      %eq3A_90 = arith.cmpi eq, %get3A_89, %add3A_87 : vector<16xi32>
      %swap3A = arith.index_cast %scan3A_80 : i32 to index
      %swap3A_91 = tpu.vector_load %arg8[%swap3A] masked %eq3A_90 {strides = array<i32>} : memref<4096xi32, #tpu.memory_space<vmem>>, vector<16xi32>, vector<16xi1>
      tpu.vector_store %arg8[%swap3A], %add3A_87 masked %eq3A_90 {strides = array<i32>} : memref<4096xi32, #tpu.memory_space<vmem>>, vector<16xi32>, vector<16xi1>
      %get3A_92 = arith.index_cast %mul3A_82 : i32 to index
      %get3A_93 = tpu.vector_load %arg6[%get3A_92] {strides = array<i32>} : memref<4096xi32, #tpu.memory_space<vmem>>, vector<16xi32>,
      %swap3A_94 = arith.index_cast %scan3A_80 : i32 to index
      %swap3A_95 = tpu.vector_load %arg9[%swap3A_94] masked %eq3A_90 {strides = array<i32>} : memref<4096xi32, #tpu.memory_space<vmem>>, vector<16xi32>, vector<16xi1>
      tpu.vector_store %arg9[%swap3A_94], %get3A_93 masked %eq3A_90 {strides = array<i32>} : memref<4096xi32, #tpu.memory_space<vmem>>, vector<16xi32>, vector<16xi1>
      %all_reduce_population_count3A = tpu.all_reduce %eq3A_90 {dim = 0 : i64, kind = #tpu.reduction_kind<sum>} : vector<16xi1> -> vector<16xi32>
      %reduce_max3A = arith.constant true
      %reduce_max3A_96 = vector.broadcast %reduce_max3A : i1 to vector<16xi1>
      %reduce_max3A_97 = arith.constant -2147483648 : i32
      %reduce_max3A_98 = vector.broadcast %reduce_max3A_97 : i32 to vector<16xi32>
      %reduce_max3A_99 = arith.xori %all_reduce_population_count3A, %reduce_max3A_98 : vector<16xi32>
      %reduce_max3A_100 = tpu.scan <max>, %reduce_max3A_99 masked %reduce_max3A_96 : vector<16xi32>, vector<16xi1> -> vector<16xi32>
      %reduce_max3A_101 = arith.xori %reduce_max3A_100, %reduce_max3A_98 : vector<16xi32>
      %reduce_max3A_102 = vector.extract %reduce_max3A_101[15] : i32 from vector<16xi32>
      %add3A_103 = arith.addi %scan3A_80, %reduce_max3A_102 : i32
      scf.yield %add3A_103 : i32
    }
    %scan3A_19 = arith.constant 256 : i32
    %shift_right_arithmetic3A = arith.constant 7 : i32
    %shift_right_arithmetic3A_20 = arith.shrsi %scan3A_18, %shift_right_arithmetic3A : i32
    %add3A_21 = arith.constant 16 : i32
    %add3A_22 = arith.addi %scan3A_18, %add3A_21 : i32
    %sub3A = arith.constant 1 : i32
    %sub3A_23 = arith.subi %add3A_22, %sub3A : i32
    %shift_right_arithmetic3A_24 = arith.constant 4 : i32
    %shift_right_arithmetic3A_25 = arith.shrsi %sub3A_23, %shift_right_arithmetic3A_24 : i32
    %get3A = arith.constant 0 : index
    %get3A_26 = tpu.vector_load %arg8[%get3A] {strides = array<i32>} : memref<4096xi32, #tpu.memory_space<vmem>>, vector<16xi32>,
    %slice3A = vector.extract_strided_slice %get3A_26 {offsets = [0], sizes = [1], strides = [1]} : vector<16xi32> to vector<1xi32>
    %squeeze3A = vector.extract %slice3A[0] : i32 from vector<1xi32>
    %get3A_27 = arith.constant 0 : index
    %get3A_28 = tpu.vector_load %arg9[%get3A_27] {strides = array<i32>} : memref<4096xi32, #tpu.memory_space<vmem>>, vector<16xi32>,
    %slice3A_29 = vector.extract_strided_slice %get3A_28 {offsets = [0], sizes = [1], strides = [1]} : vector<16xi32> to vector<1xi32>
    %squeeze3A_30 = vector.extract %slice3A_29[0] : i32 from vector<1xi32>
    %shift_right_arithmetic3A_31 = arith.constant 4 : i32
    %shift_right_arithmetic3A_32 = arith.shrsi %scan3A_18, %shift_right_arithmetic3A_31 : i32
    %while3A = arith.constant 0 : i32
    %while3A_33 = arith.subi %shift_right_arithmetic3A_25, %shift_right_arithmetic3A_32 : i32
    %while3A_34 = arith.addi %shift_right_arithmetic3A_32, %while3A_33 : i32
    %while3A_35 = arith.constant 1 : i32
    %while3A_36 = arith.divsi %while3A_33, %while3A_35 : i32
    %while3A_37 = arith.muli %while3A_36, %while3A_35 : i32
    %while3A_38 = arith.addi %shift_right_arithmetic3A_32, %while3A_37 : i32
    %while3A_39 = arith.constant 1 : i32
    %while3A_40 = scf.for %while3A_79 = %shift_right_arithmetic3A_32 to %while3A_38 step %while3A_39 iter_args(%while3A_80 = %while3A) -> (i32)  : i32 {
      %mul3A_81 = arith.constant 16 : i32
      %mul3A_82 = arith.muli %while3A_79, %mul3A_81 : i32
      %mul3A_83 = arith.constant 16 : i32
      %mul3A_84 = arith.muli %while3A_79, %mul3A_83 : i32
      %iota3A = tpu.iota {dimensions = array<i32: 0>} : vector<16xi32>
      %add3A_85 = vector.broadcast %mul3A_84 : i32 to vector<16xi32>
      %add3A_86 = arith.addi %add3A_85, %iota3A : vector<16xi32>
      %ge3A = vector.broadcast %scan3A_18 : i32 to vector<16xi32>
      %ge3A_87 = arith.cmpi sge, %add3A_86, %ge3A : vector<16xi32>
      %get3A_88 = arith.index_cast %mul3A_82 : i32 to index
      %get3A_89 = tpu.vector_load %arg9[%get3A_88] {strides = array<i32>} : memref<4096xi32, #tpu.memory_space<vmem>>, vector<16xi32>,
      %broadcast_in_dim3A = vector.broadcast %squeeze3A_30 : i32 to vector<16xi32>
      %select_n3A = arith.select %ge3A_87, %broadcast_in_dim3A, %get3A_89 : vector<16xi1>, vector<16xi32>
      %swap3A = arith.index_cast %mul3A_82 : i32 to index
      %swap3A_90 = tpu.vector_load %arg9[%swap3A] {strides = array<i32>} : memref<4096xi32, #tpu.memory_space<vmem>>, vector<16xi32>,
      tpu.vector_store %arg9[%swap3A], %select_n3A {strides = array<i32>} : memref<4096xi32, #tpu.memory_space<vmem>>, vector<16xi32>,
      %get3A_91 = arith.index_cast %mul3A_82 : i32 to index
      %get3A_92 = tpu.vector_load %arg8[%get3A_91] {strides = array<i32>} : memref<4096xi32, #tpu.memory_space<vmem>>, vector<16xi32>,
      %broadcast_in_dim3A_93 = vector.broadcast %squeeze3A : i32 to vector<16xi32>
      %select_n3A_94 = arith.select %ge3A_87, %broadcast_in_dim3A_93, %get3A_92 : vector<16xi1>, vector<16xi32>
      %swap3A_95 = arith.index_cast %mul3A_82 : i32 to index
      %swap3A_96 = tpu.vector_load %arg8[%swap3A_95] {strides = array<i32>} : memref<4096xi32, #tpu.memory_space<vmem>>, vector<16xi32>,
      tpu.vector_store %arg8[%swap3A_95], %select_n3A_94 {strides = array<i32>} : memref<4096xi32, #tpu.memory_space<vmem>>, vector<16xi32>,
      %while3A_97 = arith.constant 0 : i32
      scf.yield %while3A_97 : i32
    }
    %while3A_41 = arith.constant 1 : i32
    %while3A_42 = scf.for %while3A_79 = %while3A_38 to %while3A_34 step %while3A_41 iter_args(%while3A_80 = %while3A_40) -> (i32)  : i32 {
      %mul3A_81 = arith.constant 16 : i32
      %mul3A_82 = arith.muli %while3A_79, %mul3A_81 : i32
      %mul3A_83 = arith.constant 16 : i32
      %mul3A_84 = arith.muli %while3A_79, %mul3A_83 : i32
      %iota3A = tpu.iota {dimensions = array<i32: 0>} : vector<16xi32>
      %add3A_85 = vector.broadcast %mul3A_84 : i32 to vector<16xi32>
      %add3A_86 = arith.addi %add3A_85, %iota3A : vector<16xi32>
      %ge3A = vector.broadcast %scan3A_18 : i32 to vector<16xi32>
      %ge3A_87 = arith.cmpi sge, %add3A_86, %ge3A : vector<16xi32>
      %get3A_88 = arith.index_cast %mul3A_82 : i32 to index
      %get3A_89 = tpu.vector_load %arg9[%get3A_88] {strides = array<i32>} : memref<4096xi32, #tpu.memory_space<vmem>>, vector<16xi32>,
      %broadcast_in_dim3A = vector.broadcast %squeeze3A_30 : i32 to vector<16xi32>
      %select_n3A = arith.select %ge3A_87, %broadcast_in_dim3A, %get3A_89 : vector<16xi1>, vector<16xi32>
      %swap3A = arith.index_cast %mul3A_82 : i32 to index
      %swap3A_90 = tpu.vector_load %arg9[%swap3A] {strides = array<i32>} : memref<4096xi32, #tpu.memory_space<vmem>>, vector<16xi32>,
      tpu.vector_store %arg9[%swap3A], %select_n3A {strides = array<i32>} : memref<4096xi32, #tpu.memory_space<vmem>>, vector<16xi32>,
      %get3A_91 = arith.index_cast %mul3A_82 : i32 to index
      %get3A_92 = tpu.vector_load %arg8[%get3A_91] {strides = array<i32>} : memref<4096xi32, #tpu.memory_space<vmem>>, vector<16xi32>,
      %broadcast_in_dim3A_93 = vector.broadcast %squeeze3A : i32 to vector<16xi32>
      %select_n3A_94 = arith.select %ge3A_87, %broadcast_in_dim3A_93, %get3A_92 : vector<16xi1>, vector<16xi32>
      %swap3A_95 = arith.index_cast %mul3A_82 : i32 to index
      %swap3A_96 = tpu.vector_load %arg8[%swap3A_95] {strides = array<i32>} : memref<4096xi32, #tpu.memory_space<vmem>>, vector<16xi32>,
      tpu.vector_store %arg8[%swap3A_95], %select_n3A_94 {strides = array<i32>} : memref<4096xi32, #tpu.memory_space<vmem>>, vector<16xi32>,
      %while3A_97 = arith.constant 0 : i32
      scf.yield %while3A_97 : i32
    }
    %while3A_43 = arith.constant 0 : i32
    %while3A_44 = arith.constant 0 : i32
    %while3A_45 = arith.subi %shift_right_arithmetic3A_25, %while3A_43 : i32
    %while3A_46 = arith.addi %while3A_43, %while3A_45 : i32
    %while3A_47 = arith.constant 1 : i32
    %while3A_48 = arith.divsi %while3A_45, %while3A_47 : i32
    %while3A_49 = arith.muli %while3A_48, %while3A_47 : i32
    %while3A_50 = arith.addi %while3A_43, %while3A_49 : i32
    %while3A_51 = arith.constant 1 : i32
    %while3A_52 = scf.for %while3A_79 = %while3A_43 to %while3A_50 step %while3A_51 iter_args(%while3A_80 = %while3A_44) -> (i32)  : i32 {
      %mul3A_81 = arith.constant 16 : i32
      %mul3A_82 = arith.muli %while3A_79, %mul3A_81 : i32
      %shift_right_arithmetic3A_83 = arith.constant 3 : i32
      %shift_right_arithmetic3A_84 = arith.shrsi %while3A_79, %shift_right_arithmetic3A_83 : i32
      %shift_right_arithmetic3A_85 = arith.constant 3 : i32
      %shift_right_arithmetic3A_86 = arith.shrsi %while3A_79, %shift_right_arithmetic3A_85 : i32
      %shift_left3A_87 = arith.constant 3 : i32
      %shift_left3A_88 = arith.shli %shift_right_arithmetic3A_86, %shift_left3A_87 : i32
      %sub3A_89 = arith.subi %while3A_79, %shift_left3A_88 : i32
      %shift_left3A_90 = arith.constant 3 : i32
      %shift_left3A_91 = arith.shli %shift_right_arithmetic3A_20, %shift_left3A_90 : i32
      %lt3A = arith.cmpi slt, %while3A_79, %shift_left3A_91 : i32
      %convert_element_type3A_92 = arith.extui %lt3A : i1 to i32
      %cond3A_93 = arith.constant 0 : i32
      %cond3A_94 = arith.cmpi ne, %convert_element_type3A_92, %cond3A_93 : i32
      scf.if %cond3A_94 {
        %get3A_101 = arith.index_cast %mul3A_82 : i32 to index
        %get3A_102 = tpu.vector_load %arg9[%get3A_101] {strides = array<i32>} : memref<4096xi32, #tpu.memory_space<vmem>>, vector<16xi32>,
        %mul3A_103 = arith.constant 16 : i32
        %mul3A_104 = arith.muli %sub3A_89, %mul3A_103 : i32
        %swap3A = arith.index_cast %shift_right_arithmetic3A_84 : i32 to index
        %swap3A_105 = arith.index_cast %mul3A_104 : i32 to index
        %swap3A_106 = tpu.vector_load %arg10[%swap3A, %swap3A_105] {strides = array<i32>} : memref<32x128xi32, #tpu.memory_space<vmem>>, vector<16xi32>,
        tpu.vector_store %arg10[%swap3A, %swap3A_105], %get3A_102 {strides = array<i32>} : memref<32x128xi32, #tpu.memory_space<vmem>>, vector<16xi32>,
      } else {
      }
      %shift_left3A_95 = arith.constant 3 : i32
      %shift_left3A_96 = arith.shli %shift_right_arithmetic3A_20, %shift_left3A_95 : i32
      %ge3A = arith.cmpi sge, %while3A_79, %shift_left3A_96 : i32
      %convert_element_type3A_97 = arith.extui %ge3A : i1 to i32
      %cond3A_98 = arith.constant 0 : i32
      %cond3A_99 = arith.cmpi ne, %convert_element_type3A_97, %cond3A_98 : i32
      scf.if %cond3A_99 {
        %get3A_101 = arith.index_cast %mul3A_82 : i32 to index
        %get3A_102 = tpu.vector_load %arg9[%get3A_101] {strides = array<i32>} : memref<4096xi32, #tpu.memory_space<vmem>>, vector<16xi32>,
        %shift_left3A_103 = arith.constant 3 : i32
        %shift_left3A_104 = arith.shli %shift_right_arithmetic3A_20, %shift_left3A_103 : i32
        %sub3A_105 = arith.subi %while3A_79, %shift_left3A_104 : i32
        %swap3A = arith.index_cast %sub3A_105 : i32 to index
        %swap3A_106 = arith.constant 0 : index
        %swap3A_107 = tpu.vector_load %arg11[%swap3A, %swap3A_106] {strides = array<i32>} : memref<8x16xi32, #tpu.memory_space<vmem>>, vector<16xi32>,
        tpu.vector_store %arg11[%swap3A, %swap3A_106], %get3A_102 {strides = array<i32>} : memref<8x16xi32, #tpu.memory_space<vmem>>, vector<16xi32>,
      } else {
      }
      %while3A_100 = arith.constant 0 : i32
      scf.yield %while3A_100 : i32
    }
    %while3A_53 = arith.constant 1 : i32
    %while3A_54 = scf.for %while3A_79 = %while3A_50 to %while3A_46 step %while3A_53 iter_args(%while3A_80 = %while3A_52) -> (i32)  : i32 {
      %mul3A_81 = arith.constant 16 : i32
      %mul3A_82 = arith.muli %while3A_79, %mul3A_81 : i32
      %shift_right_arithmetic3A_83 = arith.constant 3 : i32
      %shift_right_arithmetic3A_84 = arith.shrsi %while3A_79, %shift_right_arithmetic3A_83 : i32
      %shift_right_arithmetic3A_85 = arith.constant 3 : i32
      %shift_right_arithmetic3A_86 = arith.shrsi %while3A_79, %shift_right_arithmetic3A_85 : i32
      %shift_left3A_87 = arith.constant 3 : i32
      %shift_left3A_88 = arith.shli %shift_right_arithmetic3A_86, %shift_left3A_87 : i32
      %sub3A_89 = arith.subi %while3A_79, %shift_left3A_88 : i32
      %shift_left3A_90 = arith.constant 3 : i32
      %shift_left3A_91 = arith.shli %shift_right_arithmetic3A_20, %shift_left3A_90 : i32
      %lt3A = arith.cmpi slt, %while3A_79, %shift_left3A_91 : i32
      %convert_element_type3A_92 = arith.extui %lt3A : i1 to i32
      %cond3A_93 = arith.constant 0 : i32
      %cond3A_94 = arith.cmpi ne, %convert_element_type3A_92, %cond3A_93 : i32
      scf.if %cond3A_94 {
        %get3A_101 = arith.index_cast %mul3A_82 : i32 to index
        %get3A_102 = tpu.vector_load %arg9[%get3A_101] {strides = array<i32>} : memref<4096xi32, #tpu.memory_space<vmem>>, vector<16xi32>,
        %mul3A_103 = arith.constant 16 : i32
        %mul3A_104 = arith.muli %sub3A_89, %mul3A_103 : i32
        %swap3A = arith.index_cast %shift_right_arithmetic3A_84 : i32 to index
        %swap3A_105 = arith.index_cast %mul3A_104 : i32 to index
        %swap3A_106 = tpu.vector_load %arg10[%swap3A, %swap3A_105] {strides = array<i32>} : memref<32x128xi32, #tpu.memory_space<vmem>>, vector<16xi32>,
        tpu.vector_store %arg10[%swap3A, %swap3A_105], %get3A_102 {strides = array<i32>} : memref<32x128xi32, #tpu.memory_space<vmem>>, vector<16xi32>,
      } else {
      }
      %shift_left3A_95 = arith.constant 3 : i32
      %shift_left3A_96 = arith.shli %shift_right_arithmetic3A_20, %shift_left3A_95 : i32
      %ge3A = arith.cmpi sge, %while3A_79, %shift_left3A_96 : i32
      %convert_element_type3A_97 = arith.extui %ge3A : i1 to i32
      %cond3A_98 = arith.constant 0 : i32
      %cond3A_99 = arith.cmpi ne, %convert_element_type3A_97, %cond3A_98 : i32
      scf.if %cond3A_99 {
        %get3A_101 = arith.index_cast %mul3A_82 : i32 to index
        %get3A_102 = tpu.vector_load %arg9[%get3A_101] {strides = array<i32>} : memref<4096xi32, #tpu.memory_space<vmem>>, vector<16xi32>,
        %shift_left3A_103 = arith.constant 3 : i32
        %shift_left3A_104 = arith.shli %shift_right_arithmetic3A_20, %shift_left3A_103 : i32
        %sub3A_105 = arith.subi %while3A_79, %shift_left3A_104 : i32
        %swap3A = arith.index_cast %sub3A_105 : i32 to index
        %swap3A_106 = arith.constant 0 : index
        %swap3A_107 = tpu.vector_load %arg11[%swap3A, %swap3A_106] {strides = array<i32>} : memref<8x16xi32, #tpu.memory_space<vmem>>, vector<16xi32>,
        tpu.vector_store %arg11[%swap3A, %swap3A_106], %get3A_102 {strides = array<i32>} : memref<8x16xi32, #tpu.memory_space<vmem>>, vector<16xi32>,
      } else {
      }
      %while3A_100 = arith.constant 0 : i32
      scf.yield %while3A_100 : i32
    }
    %while3A_55 = arith.constant 0 : i32
    %while3A_56 = arith.constant 0 : i32
    %while3A_57 = arith.subi %shift_right_arithmetic3A_20, %while3A_55 : i32
    %while3A_58 = arith.addi %while3A_55, %while3A_57 : i32
    %while3A_59 = arith.constant 1 : i32
    %while3A_60 = arith.divsi %while3A_57, %while3A_59 : i32
    %while3A_61 = arith.muli %while3A_60, %while3A_59 : i32
    %while3A_62 = arith.addi %while3A_55, %while3A_61 : i32
    %while3A_63 = arith.constant 1 : i32
    %while3A_64 = scf.for %while3A_79 = %while3A_55 to %while3A_62 step %while3A_63 iter_args(%while3A_80 = %while3A_56) -> (i32)  : i32 {
      %mul3A_81 = arith.constant 128 : i32
      %mul3A_82 = arith.muli %while3A_79, %mul3A_81 : i32
      %dma_start3A_83 = tpu.memref_slice %arg8[%mul3A_82] : memref<4096xi32, #tpu.memory_space<vmem>> -> memref<128xi32, #tpu.memory_space<vmem>>
      %dma_start3A_84 = arith.constant 0 : i32
      %dma_start3A_85 = arith.constant 0 : i32
      %dma_start3A_86 = tpu.memref_slice %arg4[%dma_start3A_84, %dma_start3A_85] : memref<131072x128xf32, #tpu.memory_space<hbm>> -> memref<131072x128xf32, #tpu.memory_space<hbm>>
      tpu.enqueue_indirect_dma source(%dma_start3A_86 : memref<131072x128xf32, #tpu.memory_space<hbm>>) target(%arg12 : memref<128x128xf32, #tpu.memory_space<vmem>>) offsets(%dma_start3A_83 : memref<128xi32, #tpu.memory_space<vmem>>) semaphore(%arg15 : memref<!tpu.dma_semaphore, #tpu.memory_space<semaphore_mem>>)
      %dma_wait3A_87 = tpu.memref_slice %arg8[%mul3A_82] : memref<4096xi32, #tpu.memory_space<vmem>> -> memref<128xi32, #tpu.memory_space<vmem>>
      %dma_wait3A_88 = arith.constant 0 : i32
      %dma_wait3A_89 = arith.constant 0 : i32
      %dma_wait3A_90 = tpu.memref_slice %arg4[%dma_wait3A_88, %dma_wait3A_89] : memref<131072x128xf32, #tpu.memory_space<hbm>> -> memref<131072x128xf32, #tpu.memory_space<hbm>>
      tpu.wait_indirect_dma semaphore(%arg15 : memref<!tpu.dma_semaphore, #tpu.memory_space<semaphore_mem>>) src(%dma_wait3A_90 : memref<131072x128xf32, #tpu.memory_space<hbm>>) dst(%arg12 : memref<128x128xf32, #tpu.memory_space<vmem>>)
      %dma_start3A_91 = arith.constant 0 : i32
      %dma_start3A_92 = tpu.memref_slice %arg10[%while3A_79, %dma_start3A_91] : memref<32x128xi32, #tpu.memory_space<vmem>> -> memref<1x128xi32, #tpu.memory_space<vmem>>
      %dma_start3A_93 = tpu.memref_squeeze %dma_start3A_92 : memref<1x128xi32, #tpu.memory_space<vmem>> -> memref<128xi32, #tpu.memory_space<vmem>>
      %dma_start3A_94 = arith.constant 0 : i32
      %dma_start3A_95 = arith.constant 0 : i32
      %dma_start3A_96 = tpu.memref_slice %arg5[%dma_start3A_94, %dma_start3A_95] : memref<704000x128xf32, #tpu.memory_space<hbm>> -> memref<704000x128xf32, #tpu.memory_space<hbm>>
      tpu.enqueue_indirect_dma source(%arg12 : memref<128x128xf32, #tpu.memory_space<vmem>>) target(%dma_start3A_96 : memref<704000x128xf32, #tpu.memory_space<hbm>>) offsets(%dma_start3A_93 : memref<128xi32, #tpu.memory_space<vmem>>) semaphore(%arg16 : memref<!tpu.dma_semaphore, #tpu.memory_space<semaphore_mem>>)
      %dma_wait3A_97 = arith.constant 0 : i32
      %dma_wait3A_98 = tpu.memref_slice %arg10[%while3A_79, %dma_wait3A_97] : memref<32x128xi32, #tpu.memory_space<vmem>> -> memref<1x128xi32, #tpu.memory_space<vmem>>
      %dma_wait3A_99 = tpu.memref_squeeze %dma_wait3A_98 : memref<1x128xi32, #tpu.memory_space<vmem>> -> memref<128xi32, #tpu.memory_space<vmem>>
      %dma_wait3A_100 = arith.constant 0 : i32
      %dma_wait3A_101 = arith.constant 0 : i32
      %dma_wait3A_102 = tpu.memref_slice %arg5[%dma_wait3A_100, %dma_wait3A_101] : memref<704000x128xf32, #tpu.memory_space<hbm>> -> memref<704000x128xf32, #tpu.memory_space<hbm>>
      tpu.wait_indirect_dma semaphore(%arg16 : memref<!tpu.dma_semaphore, #tpu.memory_space<semaphore_mem>>) src(%arg12 : memref<128x128xf32, #tpu.memory_space<vmem>>) dst(%dma_wait3A_102 : memref<704000x128xf32, #tpu.memory_space<hbm>>)
      %while3A_103 = arith.constant 0 : i32
      scf.yield %while3A_103 : i32
    }
    %while3A_65 = arith.constant 1 : i32
    %while3A_66 = scf.for %while3A_79 = %while3A_62 to %while3A_58 step %while3A_65 iter_args(%while3A_80 = %while3A_64) -> (i32)  : i32 {
      %mul3A_81 = arith.constant 128 : i32
      %mul3A_82 = arith.muli %while3A_79, %mul3A_81 : i32
      %dma_start3A_83 = tpu.memref_slice %arg8[%mul3A_82] : memref<4096xi32, #tpu.memory_space<vmem>> -> memref<128xi32, #tpu.memory_space<vmem>>
      %dma_start3A_84 = arith.constant 0 : i32
      %dma_start3A_85 = arith.constant 0 : i32
      %dma_start3A_86 = tpu.memref_slice %arg4[%dma_start3A_84, %dma_start3A_85] : memref<131072x128xf32, #tpu.memory_space<hbm>> -> memref<131072x128xf32, #tpu.memory_space<hbm>>
      tpu.enqueue_indirect_dma source(%dma_start3A_86 : memref<131072x128xf32, #tpu.memory_space<hbm>>) target(%arg12 : memref<128x128xf32, #tpu.memory_space<vmem>>) offsets(%dma_start3A_83 : memref<128xi32, #tpu.memory_space<vmem>>) semaphore(%arg15 : memref<!tpu.dma_semaphore, #tpu.memory_space<semaphore_mem>>)
      %dma_wait3A_87 = tpu.memref_slice %arg8[%mul3A_82] : memref<4096xi32, #tpu.memory_space<vmem>> -> memref<128xi32, #tpu.memory_space<vmem>>
      %dma_wait3A_88 = arith.constant 0 : i32
      %dma_wait3A_89 = arith.constant 0 : i32
      %dma_wait3A_90 = tpu.memref_slice %arg4[%dma_wait3A_88, %dma_wait3A_89] : memref<131072x128xf32, #tpu.memory_space<hbm>> -> memref<131072x128xf32, #tpu.memory_space<hbm>>
      tpu.wait_indirect_dma semaphore(%arg15 : memref<!tpu.dma_semaphore, #tpu.memory_space<semaphore_mem>>) src(%dma_wait3A_90 : memref<131072x128xf32, #tpu.memory_space<hbm>>) dst(%arg12 : memref<128x128xf32, #tpu.memory_space<vmem>>)
      %dma_start3A_91 = arith.constant 0 : i32
      %dma_start3A_92 = tpu.memref_slice %arg10[%while3A_79, %dma_start3A_91] : memref<32x128xi32, #tpu.memory_space<vmem>> -> memref<1x128xi32, #tpu.memory_space<vmem>>
      %dma_start3A_93 = tpu.memref_squeeze %dma_start3A_92 : memref<1x128xi32, #tpu.memory_space<vmem>> -> memref<128xi32, #tpu.memory_space<vmem>>
      %dma_start3A_94 = arith.constant 0 : i32
      %dma_start3A_95 = arith.constant 0 : i32
      %dma_start3A_96 = tpu.memref_slice %arg5[%dma_start3A_94, %dma_start3A_95] : memref<704000x128xf32, #tpu.memory_space<hbm>> -> memref<704000x128xf32, #tpu.memory_space<hbm>>
      tpu.enqueue_indirect_dma source(%arg12 : memref<128x128xf32, #tpu.memory_space<vmem>>) target(%dma_start3A_96 : memref<704000x128xf32, #tpu.memory_space<hbm>>) offsets(%dma_start3A_93 : memref<128xi32, #tpu.memory_space<vmem>>) semaphore(%arg16 : memref<!tpu.dma_semaphore, #tpu.memory_space<semaphore_mem>>)
      %dma_wait3A_97 = arith.constant 0 : i32
      %dma_wait3A_98 = tpu.memref_slice %arg10[%while3A_79, %dma_wait3A_97] : memref<32x128xi32, #tpu.memory_space<vmem>> -> memref<1x128xi32, #tpu.memory_space<vmem>>
      %dma_wait3A_99 = tpu.memref_squeeze %dma_wait3A_98 : memref<1x128xi32, #tpu.memory_space<vmem>> -> memref<128xi32, #tpu.memory_space<vmem>>
      %dma_wait3A_100 = arith.constant 0 : i32
      %dma_wait3A_101 = arith.constant 0 : i32
      %dma_wait3A_102 = tpu.memref_slice %arg5[%dma_wait3A_100, %dma_wait3A_101] : memref<704000x128xf32, #tpu.memory_space<hbm>> -> memref<704000x128xf32, #tpu.memory_space<hbm>>
      tpu.wait_indirect_dma semaphore(%arg16 : memref<!tpu.dma_semaphore, #tpu.memory_space<semaphore_mem>>) src(%arg12 : memref<128x128xf32, #tpu.memory_space<vmem>>) dst(%dma_wait3A_102 : memref<704000x128xf32, #tpu.memory_space<hbm>>)
      %while3A_103 = arith.constant 0 : i32
      scf.yield %while3A_103 : i32
    }
    %shift_left3A = arith.constant 3 : i32
    %shift_left3A_67 = arith.shli %shift_right_arithmetic3A_20, %shift_left3A : i32
    %while3A_68 = arith.constant 0 : i32
    %while3A_69 = arith.subi %shift_right_arithmetic3A_25, %shift_left3A_67 : i32
    %while3A_70 = arith.addi %shift_left3A_67, %while3A_69 : i32
    %while3A_71 = arith.constant 1 : i32
    %while3A_72 = arith.divsi %while3A_69, %while3A_71 : i32
    %while3A_73 = arith.muli %while3A_72, %while3A_71 : i32
    %while3A_74 = arith.addi %shift_left3A_67, %while3A_73 : i32
    %while3A_75 = arith.constant 1 : i32
    %while3A_76 = scf.for %while3A_79 = %shift_left3A_67 to %while3A_74 step %while3A_75 iter_args(%while3A_80 = %while3A_68) -> (i32)  : i32 {
      %shift_left3A_81 = arith.constant 3 : i32
      %shift_left3A_82 = arith.shli %shift_right_arithmetic3A_20, %shift_left3A_81 : i32
      %sub3A_83 = arith.subi %while3A_79, %shift_left3A_82 : i32
      %mul3A_84 = arith.constant 16 : i32
      %mul3A_85 = arith.muli %while3A_79, %mul3A_84 : i32
      %dma_start3A_86 = tpu.memref_slice %arg8[%mul3A_85] : memref<4096xi32, #tpu.memory_space<vmem>> -> memref<16xi32, #tpu.memory_space<vmem>>
      %dma_start3A_87 = arith.constant 0 : i32
      %dma_start3A_88 = arith.constant 0 : i32
      %dma_start3A_89 = tpu.memref_slice %arg4[%dma_start3A_87, %dma_start3A_88] : memref<131072x128xf32, #tpu.memory_space<hbm>> -> memref<131072x128xf32, #tpu.memory_space<hbm>>
      tpu.enqueue_indirect_dma source(%dma_start3A_89 : memref<131072x128xf32, #tpu.memory_space<hbm>>) target(%arg13 : memref<16x128xf32, #tpu.memory_space<vmem>>) offsets(%dma_start3A_86 : memref<16xi32, #tpu.memory_space<vmem>>) semaphore(%arg15 : memref<!tpu.dma_semaphore, #tpu.memory_space<semaphore_mem>>)
      %dma_wait3A_90 = tpu.memref_slice %arg8[%mul3A_85] : memref<4096xi32, #tpu.memory_space<vmem>> -> memref<16xi32, #tpu.memory_space<vmem>>
      %dma_wait3A_91 = arith.constant 0 : i32
      %dma_wait3A_92 = arith.constant 0 : i32
      %dma_wait3A_93 = tpu.memref_slice %arg4[%dma_wait3A_91, %dma_wait3A_92] : memref<131072x128xf32, #tpu.memory_space<hbm>> -> memref<131072x128xf32, #tpu.memory_space<hbm>>
      tpu.wait_indirect_dma semaphore(%arg15 : memref<!tpu.dma_semaphore, #tpu.memory_space<semaphore_mem>>) src(%dma_wait3A_93 : memref<131072x128xf32, #tpu.memory_space<hbm>>) dst(%arg13 : memref<16x128xf32, #tpu.memory_space<vmem>>)
      %dma_start3A_94 = arith.constant 0 : i32
      %dma_start3A_95 = tpu.memref_slice %arg11[%sub3A_83, %dma_start3A_94] : memref<8x16xi32, #tpu.memory_space<vmem>> -> memref<1x16xi32, #tpu.memory_space<vmem>>
      %dma_start3A_96 = tpu.memref_squeeze %dma_start3A_95 : memref<1x16xi32, #tpu.memory_space<vmem>> -> memref<16xi32, #tpu.memory_space<vmem>>
      %dma_start3A_97 = arith.constant 0 : i32
      %dma_start3A_98 = arith.constant 0 : i32
      %dma_start3A_99 = tpu.memref_slice %arg5[%dma_start3A_97, %dma_start3A_98] : memref<704000x128xf32, #tpu.memory_space<hbm>> -> memref<704000x128xf32, #tpu.memory_space<hbm>>
      tpu.enqueue_indirect_dma source(%arg13 : memref<16x128xf32, #tpu.memory_space<vmem>>) target(%dma_start3A_99 : memref<704000x128xf32, #tpu.memory_space<hbm>>) offsets(%dma_start3A_96 : memref<16xi32, #tpu.memory_space<vmem>>) semaphore(%arg16 : memref<!tpu.dma_semaphore, #tpu.memory_space<semaphore_mem>>)
      %dma_wait3A_100 = arith.constant 0 : i32
      %dma_wait3A_101 = tpu.memref_slice %arg11[%sub3A_83, %dma_wait3A_100] : memref<8x16xi32, #tpu.memory_space<vmem>> -> memref<1x16xi32, #tpu.memory_space<vmem>>
      %dma_wait3A_102 = tpu.memref_squeeze %dma_wait3A_101 : memref<1x16xi32, #tpu.memory_space<vmem>> -> memref<16xi32, #tpu.memory_space<vmem>>
      %dma_wait3A_103 = arith.constant 0 : i32
      %dma_wait3A_104 = arith.constant 0 : i32
      %dma_wait3A_105 = tpu.memref_slice %arg5[%dma_wait3A_103, %dma_wait3A_104] : memref<704000x128xf32, #tpu.memory_space<hbm>> -> memref<704000x128xf32, #tpu.memory_space<hbm>>
      tpu.wait_indirect_dma semaphore(%arg16 : memref<!tpu.dma_semaphore, #tpu.memory_space<semaphore_mem>>) src(%arg13 : memref<16x128xf32, #tpu.memory_space<vmem>>) dst(%dma_wait3A_105 : memref<704000x128xf32, #tpu.memory_space<hbm>>)
      %while3A_106 = arith.constant 0 : i32
      scf.yield %while3A_106 : i32
    }
    %while3A_77 = arith.constant 1 : i32
    %while3A_78 = scf.for %while3A_79 = %while3A_74 to %while3A_70 step %while3A_77 iter_args(%while3A_80 = %while3A_76) -> (i32)  : i32 {
      %shift_left3A_81 = arith.constant 3 : i32
      %shift_left3A_82 = arith.shli %shift_right_arithmetic3A_20, %shift_left3A_81 : i32
      %sub3A_83 = arith.subi %while3A_79, %shift_left3A_82 : i32
      %mul3A_84 = arith.constant 16 : i32
      %mul3A_85 = arith.muli %while3A_79, %mul3A_84 : i32
      %dma_start3A_86 = tpu.memref_slice %arg8[%mul3A_85] : memref<4096xi32, #tpu.memory_space<vmem>> -> memref<16xi32, #tpu.memory_space<vmem>>
      %dma_start3A_87 = arith.constant 0 : i32
      %dma_start3A_88 = arith.constant 0 : i32
      %dma_start3A_89 = tpu.memref_slice %arg4[%dma_start3A_87, %dma_start3A_88] : memref<131072x128xf32, #tpu.memory_space<hbm>> -> memref<131072x128xf32, #tpu.memory_space<hbm>>
      tpu.enqueue_indirect_dma source(%dma_start3A_89 : memref<131072x128xf32, #tpu.memory_space<hbm>>) target(%arg13 : memref<16x128xf32, #tpu.memory_space<vmem>>) offsets(%dma_start3A_86 : memref<16xi32, #tpu.memory_space<vmem>>) semaphore(%arg15 : memref<!tpu.dma_semaphore, #tpu.memory_space<semaphore_mem>>)
      %dma_wait3A_90 = tpu.memref_slice %arg8[%mul3A_85] : memref<4096xi32, #tpu.memory_space<vmem>> -> memref<16xi32, #tpu.memory_space<vmem>>
      %dma_wait3A_91 = arith.constant 0 : i32
      %dma_wait3A_92 = arith.constant 0 : i32
      %dma_wait3A_93 = tpu.memref_slice %arg4[%dma_wait3A_91, %dma_wait3A_92] : memref<131072x128xf32, #tpu.memory_space<hbm>> -> memref<131072x128xf32, #tpu.memory_space<hbm>>
      tpu.wait_indirect_dma semaphore(%arg15 : memref<!tpu.dma_semaphore, #tpu.memory_space<semaphore_mem>>) src(%dma_wait3A_93 : memref<131072x128xf32, #tpu.memory_space<hbm>>) dst(%arg13 : memref<16x128xf32, #tpu.memory_space<vmem>>)
      %dma_start3A_94 = arith.constant 0 : i32
      %dma_start3A_95 = tpu.memref_slice %arg11[%sub3A_83, %dma_start3A_94] : memref<8x16xi32, #tpu.memory_space<vmem>> -> memref<1x16xi32, #tpu.memory_space<vmem>>
      %dma_start3A_96 = tpu.memref_squeeze %dma_start3A_95 : memref<1x16xi32, #tpu.memory_space<vmem>> -> memref<16xi32, #tpu.memory_space<vmem>>
      %dma_start3A_97 = arith.constant 0 : i32
      %dma_start3A_98 = arith.constant 0 : i32
      %dma_start3A_99 = tpu.memref_slice %arg5[%dma_start3A_97, %dma_start3A_98] : memref<704000x128xf32, #tpu.memory_space<hbm>> -> memref<704000x128xf32, #tpu.memory_space<hbm>>
      tpu.enqueue_indirect_dma source(%arg13 : memref<16x128xf32, #tpu.memory_space<vmem>>) target(%dma_start3A_99 : memref<704000x128xf32, #tpu.memory_space<hbm>>) offsets(%dma_start3A_96 : memref<16xi32, #tpu.memory_space<vmem>>) semaphore(%arg16 : memref<!tpu.dma_semaphore, #tpu.memory_space<semaphore_mem>>)
      %dma_wait3A_100 = arith.constant 0 : i32
      %dma_wait3A_101 = tpu.memref_slice %arg11[%sub3A_83, %dma_wait3A_100] : memref<8x16xi32, #tpu.memory_space<vmem>> -> memref<1x16xi32, #tpu.memory_space<vmem>>
      %dma_wait3A_102 = tpu.memref_squeeze %dma_wait3A_101 : memref<1x16xi32, #tpu.memory_space<vmem>> -> memref<16xi32, #tpu.memory_space<vmem>>
      %dma_wait3A_103 = arith.constant 0 : i32
      %dma_wait3A_104 = arith.constant 0 : i32
      %dma_wait3A_105 = tpu.memref_slice %arg5[%dma_wait3A_103, %dma_wait3A_104] : memref<704000x128xf32, #tpu.memory_space<hbm>> -> memref<704000x128xf32, #tpu.memory_space<hbm>>
      tpu.wait_indirect_dma semaphore(%arg16 : memref<!tpu.dma_semaphore, #tpu.memory_space<semaphore_mem>>) src(%arg13 : memref<16x128xf32, #tpu.memory_space<vmem>>) dst(%dma_wait3A_105 : memref<704000x128xf32, #tpu.memory_space<hbm>>)
      %while3A_106 = arith.constant 0 : i32
      scf.yield %while3A_106 : i32
    }
    return
  }
}

#map = affine_map<(d0, d1) -> (0)>
module attributes {stable_mosaic.version = 14 : i64} {
  func.func @_winner_k(%arg0: i32, %arg1: i32, %arg2: memref<131072xi32, #tpu.memory_space<hbm>>, %arg3: memref<704000xi32, #tpu.memory_space<hbm>>, %arg4: memref<22000xi32, #tpu.memory_space<vmem>>, %arg5: memref<8192xi32, #tpu.memory_space<vmem>>) attributes {dimension_semantics = [#tpu.dimension_semantics<core_parallel>, #tpu.dimension_semantics<subcore_parallel>], iteration_bounds = array<i64: 2, 16>, scalar_prefetch = 0 : i64, scratch_operands = 2 : i64, tpu.core_type = #tpu.core_type<sc_vector_subcore>, window_params = [{transform_indices = #map}, {transform_indices = #map}]} {
    %mul3A = arith.constant 2 : i32
    %mul3A_0 = arith.muli %arg1, %mul3A : i32
    %add3A = arith.addi %mul3A_0, %arg0 : i32
    %mul3A_1 = arith.constant 22000 : i32
    %mul3A_2 = arith.muli %add3A, %mul3A_1 : i32
    %scan3A = arith.constant 0 : i32
    %scan3A_3 = arith.constant 0 : i32
    %scan3A_4 = arith.constant 1375 : i32
    %scan3A_5 = arith.addi %scan3A_3, %scan3A_4 : i32
    %scan3A_6 = arith.constant 1 : i32
    %scan3A_7 = scf.for %scan3A_16 = %scan3A_3 to %scan3A_5 step %scan3A_6 iter_args(%scan3A_17 = %scan3A) -> (i32)  : i32 {
      %broadcast_in_dim3A = arith.constant -1 : i32
      %broadcast_in_dim3A_18 = vector.broadcast %broadcast_in_dim3A : i32 to vector<16xi32>
      %mul3A_19 = arith.constant 16 : i32
      %mul3A_20 = arith.muli %scan3A_16, %mul3A_19 : i32
      %swap3A = arith.index_cast %mul3A_20 : i32 to index
      %swap3A_21 = tpu.vector_load %arg4[%swap3A] {strides = array<i32>} : memref<22000xi32, #tpu.memory_space<vmem>>, vector<16xi32>,
      tpu.vector_store %arg4[%swap3A], %broadcast_in_dim3A_18 {strides = array<i32>} : memref<22000xi32, #tpu.memory_space<vmem>>, vector<16xi32>,
      %scan3A_22 = arith.constant 0 : i32
      scf.yield %scan3A_22 : i32
    }
    %scan3A_8 = arith.constant 1375 : i32
    %scan3A_9 = arith.constant 0 : i32
    %scan3A_10 = arith.constant 0 : i32
    %scan3A_11 = arith.constant 16 : i32
    %scan3A_12 = arith.addi %scan3A_10, %scan3A_11 : i32
    %scan3A_13 = arith.constant 1 : i32
    %scan3A_14 = scf.for %scan3A_16 = %scan3A_10 to %scan3A_12 step %scan3A_13 iter_args(%scan3A_17 = %scan3A_9) -> (i32)  : i32 {
      %mul3A_18 = arith.constant 8192 : i32
      %mul3A_19 = arith.muli %scan3A_16, %mul3A_18 : i32
      "tpu.region"() ({
        %run_scoped3A = tpu.sem_alloc : memref<!tpu.dma_semaphore, #tpu.memory_space<semaphore_mem>>
        %dma_start3A = tpu.memref_slice %arg2[%mul3A_19] : memref<131072xi32, #tpu.memory_space<hbm>> -> memref<8192xi32, #tpu.memory_space<hbm>>
        %dma_start3A_28 = tpu.memref_slice %arg2[%mul3A_19] : memref<131072xi32, #tpu.memory_space<hbm>> -> memref<8192xi32, #tpu.memory_space<hbm>>
        tpu.enqueue_dma source(%dma_start3A_28 : memref<8192xi32, #tpu.memory_space<hbm>>) target(%arg5 : memref<8192xi32, #tpu.memory_space<vmem>>) target_semaphore(%run_scoped3A : memref<!tpu.dma_semaphore, #tpu.memory_space<semaphore_mem>>)
        %dma_wait3A = tpu.memref_slice %arg2[%mul3A_19] : memref<131072xi32, #tpu.memory_space<hbm>> -> memref<8192xi32, #tpu.memory_space<hbm>>
        %dma_wait3A_29 = tpu.memref_slice %arg2[%mul3A_19] : memref<131072xi32, #tpu.memory_space<hbm>> -> memref<8192xi32, #tpu.memory_space<hbm>>
        tpu.wait_dma2 semaphore(%run_scoped3A : memref<!tpu.dma_semaphore, #tpu.memory_space<semaphore_mem>>) src(%dma_wait3A_29 : memref<8192xi32, #tpu.memory_space<hbm>>) dst(%arg5 : memref<8192xi32, #tpu.memory_space<vmem>>)
        tpu.yield
      }) : () -> ()
      %scan3A_20 = arith.constant 0 : i32
      %scan3A_21 = arith.constant 0 : i32
      %scan3A_22 = arith.constant 512 : i32
      %scan3A_23 = arith.addi %scan3A_21, %scan3A_22 : i32
      %scan3A_24 = arith.constant 1 : i32
      %scan3A_25 = scf.for %scan3A_28 = %scan3A_21 to %scan3A_23 step %scan3A_24 iter_args(%scan3A_29 = %scan3A_20) -> (i32)  : i32 {
        %mul3A_30 = arith.constant 16 : i32
        %mul3A_31 = arith.muli %scan3A_28, %mul3A_30 : i32
        %get3A = arith.index_cast %mul3A_31 : i32 to index
        %get3A_32 = tpu.vector_load %arg5[%get3A] {strides = array<i32>} : memref<8192xi32, #tpu.memory_space<vmem>>, vector<16xi32>,
        %mul3A_33 = arith.constant 8192 : i32
        %mul3A_34 = arith.muli %scan3A_16, %mul3A_33 : i32
        %mul3A_35 = arith.constant 16 : i32
        %mul3A_36 = arith.muli %scan3A_28, %mul3A_35 : i32
        %add3A_37 = arith.addi %mul3A_34, %mul3A_36 : i32
        %iota3A = tpu.iota {dimensions = array<i32: 0>} : vector<16xi32>
        %add3A_38 = vector.broadcast %add3A_37 : i32 to vector<16xi32>
        %add3A_39 = arith.addi %add3A_38, %iota3A : vector<16xi32>
        %sub3A = vector.broadcast %mul3A_2 : i32 to vector<16xi32>
        %sub3A_40 = arith.subi %get3A_32, %sub3A : vector<16xi32>
        %ge3A = arith.constant 0 : i32
        %ge3A_41 = vector.broadcast %ge3A : i32 to vector<16xi32>
        %ge3A_42 = arith.cmpi sge, %sub3A_40, %ge3A_41 : vector<16xi32>
        %lt3A = arith.constant 22000 : i32
        %lt3A_43 = vector.broadcast %lt3A : i32 to vector<16xi32>
        %lt3A_44 = arith.cmpi slt, %sub3A_40, %lt3A_43 : vector<16xi32>
        %and3A = arith.andi %ge3A_42, %lt3A_44 : vector<16xi1>
        %jit3A = arith.constant 0 : i32
        %jit3A_45 = arith.constant 21999 : i32
        %max3A = vector.broadcast %jit3A : i32 to vector<16xi32>
        %max3A_46 = arith.maxsi %max3A, %sub3A_40 : vector<16xi32>
        %min3A = vector.broadcast %jit3A_45 : i32 to vector<16xi32>
        %min3A_47 = arith.minsi %min3A, %max3A_46 : vector<16xi32>
        tpu.vector_store_idx %arg4[%min3A_47], %add3A_39 masked %and3A : memref<22000xi32, #tpu.memory_space<vmem>>[vector<16xi32>], vector<16xi32>, vector<16xi1>
        %scan3A_48 = arith.constant 0 : i32
        scf.yield %scan3A_48 : i32
      }
      %scan3A_26 = arith.constant 512 : i32
      %scan3A_27 = arith.constant 0 : i32
      scf.yield %scan3A_27 : i32
    }
    %scan3A_15 = arith.constant 16 : i32
    "tpu.region"() ({
      %run_scoped3A = tpu.sem_alloc : memref<!tpu.dma_semaphore, #tpu.memory_space<semaphore_mem>>
      %dma_start3A = tpu.memref_slice %arg3[%mul3A_2] : memref<704000xi32, #tpu.memory_space<hbm>> -> memref<22000xi32, #tpu.memory_space<hbm>>
      %dma_start3A_16 = tpu.memref_slice %arg3[%mul3A_2] : memref<704000xi32, #tpu.memory_space<hbm>> -> memref<22000xi32, #tpu.memory_space<hbm>>
      tpu.enqueue_dma source(%arg4 : memref<22000xi32, #tpu.memory_space<vmem>>) target(%dma_start3A_16 : memref<22000xi32, #tpu.memory_space<hbm>>) target_semaphore(%run_scoped3A : memref<!tpu.dma_semaphore, #tpu.memory_space<semaphore_mem>>)
      %dma_wait3A = tpu.memref_slice %arg3[%mul3A_2] : memref<704000xi32, #tpu.memory_space<hbm>> -> memref<22000xi32, #tpu.memory_space<hbm>>
      %dma_wait3A_17 = tpu.memref_slice %arg3[%mul3A_2] : memref<704000xi32, #tpu.memory_space<hbm>> -> memref<22000xi32, #tpu.memory_space<hbm>>
      tpu.wait_dma2 semaphore(%run_scoped3A : memref<!tpu.dma_semaphore, #tpu.memory_space<semaphore_mem>>) src(%arg4 : memref<22000xi32, #tpu.memory_space<vmem>>) dst(%dma_wait3A_17 : memref<22000xi32, #tpu.memory_space<hbm>>)
      tpu.yield
    }) : () -> ()
    return
  }
}

#map = affine_map<(d0, d1) -> (0)>
module attributes {stable_mosaic.version = 14 : i64} {
  func.func @_cells_k(%arg0: i32, %arg1: i32, %arg2: memref<131072xf32, #tpu.memory_space<hbm>>, %arg3: memref<131072xf32, #tpu.memory_space<hbm>>, %arg4: memref<131072xf32, #tpu.memory_space<hbm>>, %arg5: memref<131072xi32, #tpu.memory_space<hbm>>, %arg6: memref<4096xf32, #tpu.memory_space<vmem>>, %arg7: memref<4096xf32, #tpu.memory_space<vmem>>, %arg8: memref<4096xf32, #tpu.memory_space<vmem>>, %arg9: memref<4096xi32, #tpu.memory_space<vmem>>) attributes {dimension_semantics = [#tpu.dimension_semantics<core_parallel>, #tpu.dimension_semantics<subcore_parallel>], iteration_bounds = array<i64: 2, 16>, scalar_prefetch = 0 : i64, scratch_operands = 4 : i64, tpu.core_type = #tpu.core_type<sc_vector_subcore>, window_params = [{transform_indices = #map}, {transform_indices = #map}, {transform_indices = #map}, {transform_indices = #map}]} {
    %mul3A = arith.constant 2 : i32
    %mul3A_0 = arith.muli %arg1, %mul3A : i32
    %add3A = arith.addi %mul3A_0, %arg0 : i32
    %mul3A_1 = arith.constant 4096 : i32
    %mul3A_2 = arith.muli %add3A, %mul3A_1 : i32
    "tpu.region"() ({
      %run_scoped3A = tpu.sem_alloc : memref<!tpu.dma_semaphore, #tpu.memory_space<semaphore_mem>>
      %dma_start3A = tpu.memref_slice %arg2[%mul3A_2] : memref<131072xf32, #tpu.memory_space<hbm>> -> memref<4096xf32, #tpu.memory_space<hbm>>
      %dma_start3A_9 = tpu.memref_slice %arg2[%mul3A_2] : memref<131072xf32, #tpu.memory_space<hbm>> -> memref<4096xf32, #tpu.memory_space<hbm>>
      tpu.enqueue_dma source(%dma_start3A_9 : memref<4096xf32, #tpu.memory_space<hbm>>) target(%arg6 : memref<4096xf32, #tpu.memory_space<vmem>>) target_semaphore(%run_scoped3A : memref<!tpu.dma_semaphore, #tpu.memory_space<semaphore_mem>>)
      %dma_wait3A = tpu.memref_slice %arg2[%mul3A_2] : memref<131072xf32, #tpu.memory_space<hbm>> -> memref<4096xf32, #tpu.memory_space<hbm>>
      %dma_wait3A_10 = tpu.memref_slice %arg2[%mul3A_2] : memref<131072xf32, #tpu.memory_space<hbm>> -> memref<4096xf32, #tpu.memory_space<hbm>>
      tpu.wait_dma2 semaphore(%run_scoped3A : memref<!tpu.dma_semaphore, #tpu.memory_space<semaphore_mem>>) src(%dma_wait3A_10 : memref<4096xf32, #tpu.memory_space<hbm>>) dst(%arg6 : memref<4096xf32, #tpu.memory_space<vmem>>)
      tpu.yield
    }) : () -> ()
    "tpu.region"() ({
      %run_scoped3A = tpu.sem_alloc : memref<!tpu.dma_semaphore, #tpu.memory_space<semaphore_mem>>
      %dma_start3A = tpu.memref_slice %arg3[%mul3A_2] : memref<131072xf32, #tpu.memory_space<hbm>> -> memref<4096xf32, #tpu.memory_space<hbm>>
      %dma_start3A_9 = tpu.memref_slice %arg3[%mul3A_2] : memref<131072xf32, #tpu.memory_space<hbm>> -> memref<4096xf32, #tpu.memory_space<hbm>>
      tpu.enqueue_dma source(%dma_start3A_9 : memref<4096xf32, #tpu.memory_space<hbm>>) target(%arg7 : memref<4096xf32, #tpu.memory_space<vmem>>) target_semaphore(%run_scoped3A : memref<!tpu.dma_semaphore, #tpu.memory_space<semaphore_mem>>)
      %dma_wait3A = tpu.memref_slice %arg3[%mul3A_2] : memref<131072xf32, #tpu.memory_space<hbm>> -> memref<4096xf32, #tpu.memory_space<hbm>>
      %dma_wait3A_10 = tpu.memref_slice %arg3[%mul3A_2] : memref<131072xf32, #tpu.memory_space<hbm>> -> memref<4096xf32, #tpu.memory_space<hbm>>
      tpu.wait_dma2 semaphore(%run_scoped3A : memref<!tpu.dma_semaphore, #tpu.memory_space<semaphore_mem>>) src(%dma_wait3A_10 : memref<4096xf32, #tpu.memory_space<hbm>>) dst(%arg7 : memref<4096xf32, #tpu.memory_space<vmem>>)
      tpu.yield
    }) : () -> ()
    "tpu.region"() ({
      %run_scoped3A = tpu.sem_alloc : memref<!tpu.dma_semaphore, #tpu.memory_space<semaphore_mem>>
      %dma_start3A = tpu.memref_slice %arg4[%mul3A_2] : memref<131072xf32, #tpu.memory_space<hbm>> -> memref<4096xf32, #tpu.memory_space<hbm>>
      %dma_start3A_9 = tpu.memref_slice %arg4[%mul3A_2] : memref<131072xf32, #tpu.memory_space<hbm>> -> memref<4096xf32, #tpu.memory_space<hbm>>
      tpu.enqueue_dma source(%dma_start3A_9 : memref<4096xf32, #tpu.memory_space<hbm>>) target(%arg8 : memref<4096xf32, #tpu.memory_space<vmem>>) target_semaphore(%run_scoped3A : memref<!tpu.dma_semaphore, #tpu.memory_space<semaphore_mem>>)
      %dma_wait3A = tpu.memref_slice %arg4[%mul3A_2] : memref<131072xf32, #tpu.memory_space<hbm>> -> memref<4096xf32, #tpu.memory_space<hbm>>
      %dma_wait3A_10 = tpu.memref_slice %arg4[%mul3A_2] : memref<131072xf32, #tpu.memory_space<hbm>> -> memref<4096xf32, #tpu.memory_space<hbm>>
      tpu.wait_dma2 semaphore(%run_scoped3A : memref<!tpu.dma_semaphore, #tpu.memory_space<semaphore_mem>>) src(%dma_wait3A_10 : memref<4096xf32, #tpu.memory_space<hbm>>) dst(%arg8 : memref<4096xf32, #tpu.memory_space<vmem>>)
      tpu.yield
    }) : () -> ()
    %scan3A = arith.constant 0 : i32
    %scan3A_3 = arith.constant 0 : i32
    %scan3A_4 = arith.constant 256 : i32
    %scan3A_5 = arith.addi %scan3A_3, %scan3A_4 : i32
    %scan3A_6 = arith.constant 1 : i32
    %scan3A_7 = scf.for %scan3A_9 = %scan3A_3 to %scan3A_5 step %scan3A_6 iter_args(%scan3A_10 = %scan3A) -> (i32)  : i32 {
      %mul3A_11 = arith.constant 16 : i32
      %mul3A_12 = arith.muli %scan3A_9, %mul3A_11 : i32
      %get3A = arith.index_cast %mul3A_12 : i32 to index
      %get3A_13 = tpu.vector_load %arg6[%get3A] {strides = array<i32>} : memref<4096xf32, #tpu.memory_space<vmem>>, vector<16xf32>,
      %get3A_14 = vector.shape_cast %get3A_13 : vector<16xf32> to vector<16xf32>
      %get3A_15 = arith.index_cast %mul3A_12 : i32 to index
      %get3A_16 = tpu.vector_load %arg7[%get3A_15] {strides = array<i32>} : memref<4096xf32, #tpu.memory_space<vmem>>, vector<16xf32>,
      %get3A_17 = vector.shape_cast %get3A_16 : vector<16xf32> to vector<16xf32>
      %get3A_18 = arith.index_cast %mul3A_12 : i32 to index
      %get3A_19 = tpu.vector_load %arg8[%get3A_18] {strides = array<i32>} : memref<4096xf32, #tpu.memory_space<vmem>>, vector<16xf32>,
      %get3A_20 = vector.shape_cast %get3A_19 : vector<16xf32> to vector<16xf32>
      %neg3A = arith.constant 0.000000e+00 : f32
      %neg3A_21 = vector.broadcast %neg3A : f32 to vector<16xf32>
      %neg3A_22 = arith.subf %neg3A_21, %get3A_17 : vector<16xf32>
      %div3A = arith.constant 2.000000e-01 : f32
      %div3A_23 = vector.broadcast %div3A : f32 to vector<16xf32>
      %div3A_24 = arith.divf %neg3A_22, %div3A_23 : vector<16xf32>
      %convert_element_type3A = arith.fptosi %div3A_24 : vector<16xf32> to vector<16xi32>
      %add3A_25 = arith.constant 200 : i32
      %add3A_26 = vector.broadcast %add3A_25 : i32 to vector<16xi32>
      %add3A_27 = arith.addi %convert_element_type3A, %add3A_26 : vector<16xi32>
      %jit3A = arith.constant 0 : i32
      %jit3A_28 = arith.constant 399 : i32
      %max3A = vector.broadcast %jit3A : i32 to vector<16xi32>
      %max3A_29 = arith.maxsi %max3A, %add3A_27 : vector<16xi32>
      %min3A = vector.broadcast %jit3A_28 : i32 to vector<16xi32>
      %min3A_30 = arith.minsi %min3A, %max3A_29 : vector<16xi32>
      %neg3A_31 = arith.constant 0.000000e+00 : f32
      %neg3A_32 = vector.broadcast %neg3A_31 : f32 to vector<16xf32>
      %neg3A_33 = arith.subf %neg3A_32, %get3A_14 : vector<16xf32>
      %div3A_34 = arith.constant 2.000000e-01 : f32
      %div3A_35 = vector.broadcast %div3A_34 : f32 to vector<16xf32>
      %div3A_36 = arith.divf %neg3A_33, %div3A_35 : vector<16xf32>
      %convert_element_type3A_37 = arith.fptosi %div3A_36 : vector<16xf32> to vector<16xi32>
      %add3A_38 = arith.constant 352 : i32
      %add3A_39 = vector.broadcast %add3A_38 : i32 to vector<16xi32>
      %add3A_40 = arith.addi %convert_element_type3A_37, %add3A_39 : vector<16xi32>
      %jit3A_41 = arith.constant 0 : i32
      %jit3A_42 = arith.constant 351 : i32
      %max3A_43 = vector.broadcast %jit3A_41 : i32 to vector<16xi32>
      %max3A_44 = arith.maxsi %max3A_43, %add3A_40 : vector<16xi32>
      %min3A_45 = vector.broadcast %jit3A_42 : i32 to vector<16xi32>
      %min3A_46 = arith.minsi %min3A_45, %max3A_44 : vector<16xi32>
      %ge3A = arith.constant -2.200000e+00 : f32
      %ge3A_47 = vector.broadcast %ge3A : f32 to vector<16xf32>
      %ge3A_48 = arith.cmpf oge, %get3A_20, %ge3A_47 : vector<16xf32>
      %jit3A_49 = arith.constant 1 : i32
      %jit3A_50 = arith.constant 0 : i32
      %broadcast_in_dim3A = vector.broadcast %jit3A_49 : i32 to vector<16xi32>
      %broadcast_in_dim3A_51 = vector.broadcast %jit3A_50 : i32 to vector<16xi32>
      %select_n3A = arith.select %ge3A_48, %broadcast_in_dim3A, %broadcast_in_dim3A_51 : vector<16xi1>, vector<16xi32>
      %ge3A_52 = arith.constant -1.400000e+00 : f32
      %ge3A_53 = vector.broadcast %ge3A_52 : f32 to vector<16xf32>
      %ge3A_54 = arith.cmpf oge, %get3A_20, %ge3A_53 : vector<16xf32>
      %jit3A_55 = arith.constant 1 : i32
      %jit3A_56 = arith.constant 0 : i32
      %broadcast_in_dim3A_57 = vector.broadcast %jit3A_55 : i32 to vector<16xi32>
      %broadcast_in_dim3A_58 = vector.broadcast %jit3A_56 : i32 to vector<16xi32>
      %select_n3A_59 = arith.select %ge3A_54, %broadcast_in_dim3A_57, %broadcast_in_dim3A_58 : vector<16xi1>, vector<16xi32>
      %add3A_60 = arith.addi %select_n3A, %select_n3A_59 : vector<16xi32>
      %ge3A_61 = arith.constant -6.000000e-01 : f32
      %ge3A_62 = vector.broadcast %ge3A_61 : f32 to vector<16xf32>
      %ge3A_63 = arith.cmpf oge, %get3A_20, %ge3A_62 : vector<16xf32>
      %jit3A_64 = arith.constant 1 : i32
      %jit3A_65 = arith.constant 0 : i32
      %broadcast_in_dim3A_66 = vector.broadcast %jit3A_64 : i32 to vector<16xi32>
      %broadcast_in_dim3A_67 = vector.broadcast %jit3A_65 : i32 to vector<16xi32>
      %select_n3A_68 = arith.select %ge3A_63, %broadcast_in_dim3A_66, %broadcast_in_dim3A_67 : vector<16xi1>, vector<16xi32>
      %add3A_69 = arith.addi %add3A_60, %select_n3A_68 : vector<16xi32>
      %ge3A_70 = arith.constant 2.000000e-01 : f32
      %ge3A_71 = vector.broadcast %ge3A_70 : f32 to vector<16xf32>
      %ge3A_72 = arith.cmpf oge, %get3A_20, %ge3A_71 : vector<16xf32>
      %jit3A_73 = arith.constant 1 : i32
      %jit3A_74 = arith.constant 0 : i32
      %broadcast_in_dim3A_75 = vector.broadcast %jit3A_73 : i32 to vector<16xi32>
      %broadcast_in_dim3A_76 = vector.broadcast %jit3A_74 : i32 to vector<16xi32>
      %select_n3A_77 = arith.select %ge3A_72, %broadcast_in_dim3A_75, %broadcast_in_dim3A_76 : vector<16xi1>, vector<16xi32>
      %add3A_78 = arith.addi %add3A_69, %select_n3A_77 : vector<16xi32>
      %ge3A_79 = arith.constant -3.000000e+00 : f32
      %ge3A_80 = vector.broadcast %ge3A_79 : f32 to vector<16xf32>
      %ge3A_81 = arith.cmpf oge, %get3A_20, %ge3A_80 : vector<16xf32>
      %lt3A = arith.constant 1.000000e+00 : f32
      %lt3A_82 = vector.broadcast %lt3A : f32 to vector<16xf32>
      %lt3A_83 = arith.cmpf olt, %get3A_20, %lt3A_82 : vector<16xf32>
      %and3A = arith.andi %ge3A_81, %lt3A_83 : vector<16xi1>
      %mul3A_84 = arith.constant 140800 : i32
      %mul3A_85 = vector.broadcast %mul3A_84 : i32 to vector<16xi32>
      %mul3A_86 = arith.muli %add3A_78, %mul3A_85 : vector<16xi32>
      %sub3A = arith.constant 399 : i32
      %sub3A_87 = vector.broadcast %sub3A : i32 to vector<16xi32>
      %sub3A_88 = arith.subi %sub3A_87, %min3A_30 : vector<16xi32>
      %mul3A_89 = arith.constant 352 : i32
      %mul3A_90 = vector.broadcast %mul3A_89 : i32 to vector<16xi32>
      %mul3A_91 = arith.muli %sub3A_88, %mul3A_90 : vector<16xi32>
      %add3A_92 = arith.addi %mul3A_86, %mul3A_91 : vector<16xi32>
      %sub3A_93 = arith.constant 351 : i32
      %sub3A_94 = vector.broadcast %sub3A_93 : i32 to vector<16xi32>
      %sub3A_95 = arith.subi %sub3A_94, %min3A_46 : vector<16xi32>
      %add3A_96 = arith.addi %add3A_92, %sub3A_95 : vector<16xi32>
      %jit3A_97 = arith.constant 1073741824 : i32
      %broadcast_in_dim3A_98 = vector.broadcast %jit3A_97 : i32 to vector<16xi32>
      %select_n3A_99 = arith.select %and3A, %add3A_96, %broadcast_in_dim3A_98 : vector<16xi1>, vector<16xi32>
      %swap3A = arith.index_cast %mul3A_12 : i32 to index
      %swap3A_100 = tpu.vector_load %arg9[%swap3A] {strides = array<i32>} : memref<4096xi32, #tpu.memory_space<vmem>>, vector<16xi32>,
      %swap3A_101 = vector.shape_cast %swap3A_100 : vector<16xi32> to vector<16xi32>
      %swap3A_102 = vector.shape_cast %select_n3A_99 : vector<16xi32> to vector<16xi32>
      tpu.vector_store %arg9[%swap3A], %swap3A_102 {strides = array<i32>} : memref<4096xi32, #tpu.memory_space<vmem>>, vector<16xi32>,
      %scan3A_103 = arith.constant 0 : i32
      scf.yield %scan3A_103 : i32
    }
    %scan3A_8 = arith.constant 256 : i32
    "tpu.region"() ({
      %run_scoped3A = tpu.sem_alloc : memref<!tpu.dma_semaphore, #tpu.memory_space<semaphore_mem>>
      %dma_start3A = tpu.memref_slice %arg5[%mul3A_2] : memref<131072xi32, #tpu.memory_space<hbm>> -> memref<4096xi32, #tpu.memory_space<hbm>>
      %dma_start3A_9 = tpu.memref_slice %arg5[%mul3A_2] : memref<131072xi32, #tpu.memory_space<hbm>> -> memref<4096xi32, #tpu.memory_space<hbm>>
      tpu.enqueue_dma source(%arg9 : memref<4096xi32, #tpu.memory_space<vmem>>) target(%dma_start3A_9 : memref<4096xi32, #tpu.memory_space<hbm>>) target_semaphore(%run_scoped3A : memref<!tpu.dma_semaphore, #tpu.memory_space<semaphore_mem>>)
      %dma_wait3A = tpu.memref_slice %arg5[%mul3A_2] : memref<131072xi32, #tpu.memory_space<hbm>> -> memref<4096xi32, #tpu.memory_space<hbm>>
      %dma_wait3A_10 = tpu.memref_slice %arg5[%mul3A_2] : memref<131072xi32, #tpu.memory_space<hbm>> -> memref<4096xi32, #tpu.memory_space<hbm>>
      tpu.wait_dma2 semaphore(%run_scoped3A : memref<!tpu.dma_semaphore, #tpu.memory_space<semaphore_mem>>) src(%arg9 : memref<4096xi32, #tpu.memory_space<vmem>>) dst(%dma_wait3A_10 : memref<4096xi32, #tpu.memory_space<hbm>>)
      tpu.yield
    }) : () -> ()
    return
  }
}

module attributes {stable_mosaic.version = 14 : i64} {
  func.func @_valst_body(%arg0: i32, %arg1: memref<64x4096xf32, #tpu.memory_space<vmem>>, %arg2: memref<4096x128xf32, #tpu.memory_space<vmem>>) attributes {dimension_semantics = [#tpu.dimension_semantics<arbitrary>], iteration_bounds = array<i64: 32>, scalar_prefetch = 0 : i64, scratch_operands = 0 : i64, tpu.core_type = #tpu.core_type<tc>, window_params = [{transform_indices = @transform_0, window_bounds = array<i64: 64, 4096>}, {transform_indices = @transform_1, window_bounds = array<i64: 4096, 128>}]} {
    %get3A = arith.constant 0 : index
    %get3A_0 = arith.constant 0 : index
    %get3A_1 = vector.load %arg1[%get3A, %get3A_0] : memref<64x4096xf32, #tpu.memory_space<vmem>>, vector<64x4096xf32>
    %transpose3A = tpu.transpose %get3A_1, [1, 0] : vector<64x4096xf32> -> vector<4096x64xf32>
    %broadcast_in_dim3A = arith.constant 0.000000e+00 : f32
    %broadcast_in_dim3A_2 = vector.broadcast %broadcast_in_dim3A : f32 to vector<4096x64xf32>
    %concatenate3A = tpu.concatenate %transpose3A, %broadcast_in_dim3A_2 in 1 : vector<4096x64xf32>, vector<4096x64xf32> -> vector<4096x128xf32>
    %swap3A = arith.constant 0 : index
    %swap3A_3 = arith.constant 0 : index
    %swap3A_4 = vector.load %arg2[%swap3A, %swap3A_3] : memref<4096x128xf32, #tpu.memory_space<vmem>>, vector<4096x128xf32>
    tpu.vector_store %arg2[%swap3A, %swap3A_3], %concatenate3A {strides = array<i32>} : memref<4096x128xf32, #tpu.memory_space<vmem>>, vector<4096x128xf32>,
    return
  }
  func.func @transform_0(%arg0: i32) -> (i32, i32) {
    %c0_i32 = arith.constant 0 : i32
    %c0_i32_0 = arith.constant 0 : i32
    return %c0_i32, %arg0 : i32, i32
  }
  func.func @transform_1(%arg0: i32) -> (i32, i32) {
    %c0_i32 = arith.constant 0 : i32
    %c0_i32_0 = arith.constant 0 : i32
    return %arg0, %c0_i32 : i32, i32
  }
}

module attributes {stable_mosaic.version = 14 : i64} {
  func.func @_final_body(%arg0: i32, %arg1: memref<5632x128xf32, #tpu.memory_space<vmem>>, %arg2: memref<1x1x5632xi32, #tpu.memory_space<vmem>>, %arg3: memref<64x5632xf32, #tpu.memory_space<vmem>>) attributes {dimension_semantics = [#tpu.dimension_semantics<arbitrary>], iteration_bounds = array<i64: 125>, scalar_prefetch = 0 : i64, scratch_operands = 0 : i64, tpu.core_type = #tpu.core_type<tc>, window_params = [{transform_indices = @transform_0, window_bounds = array<i64: 5632, 128>}, {transform_indices = @transform_1, window_bounds = array<i64: 1, 1, 5632>}, {transform_indices = @transform_2, window_bounds = array<i64: 64, 5632>}]} {
    %get3A = arith.constant 0 : index
    %get3A_0 = arith.constant 0 : index
    %get3A_1 = arith.constant 0 : index
    %get3A_2 = vector.load %arg2[%get3A, %get3A_0, %get3A_1] : memref<1x1x5632xi32, #tpu.memory_space<vmem>>, vector<1x1x5632xi32>
    %get3A_3 = vector.shape_cast %get3A_2 : vector<1x1x5632xi32> to vector<5632xi32>
    %get3A_4 = arith.constant 0 : index
    %get3A_5 = arith.constant 0 : index
    %get3A_6 = vector.load %arg1[%get3A_4, %get3A_5] : memref<5632x128xf32, #tpu.memory_space<vmem>>, vector<5632x128xf32>
    %transpose3A = tpu.transpose %get3A_6, [1, 0] : vector<5632x128xf32> -> vector<128x5632xf32>
    %slice3A = vector.extract_strided_slice %transpose3A {offsets = [0, 0], sizes = [64, 5632], strides = [1, 1]} : vector<128x5632xf32> to vector<64x5632xf32>
    %ge3A = arith.constant 0 : i32
    %ge3A_7 = vector.broadcast %ge3A : i32 to vector<5632xi32>
    %ge3A_8 = arith.cmpi sge, %get3A_3, %ge3A_7 : vector<5632xi32>
    %broadcast_in_dim3A = vector.shape_cast %ge3A_8 : vector<5632xi1> to vector<1x5632xi1>
    %jit3A = arith.constant 0.000000e+00 : f32
    %broadcast_in_dim3A_9 = vector.shape_cast %broadcast_in_dim3A : vector<1x5632xi1> to vector<1x5632xi1>
    %broadcast_in_dim3A_10 = vector.broadcast %broadcast_in_dim3A_9 : vector<1x5632xi1> to vector<64x5632xi1>
    %broadcast_in_dim3A_11 = vector.broadcast %jit3A : f32 to vector<64x5632xf32>
    %select_n3A = arith.select %broadcast_in_dim3A_10, %slice3A, %broadcast_in_dim3A_11 : vector<64x5632xi1>, vector<64x5632xf32>
    %swap3A = arith.constant 0 : index
    %swap3A_12 = arith.constant 0 : index
    %swap3A_13 = vector.load %arg3[%swap3A, %swap3A_12] : memref<64x5632xf32, #tpu.memory_space<vmem>>, vector<64x5632xf32>
    tpu.vector_store %arg3[%swap3A, %swap3A_12], %select_n3A {strides = array<i32>} : memref<64x5632xf32, #tpu.memory_space<vmem>>, vector<64x5632xf32>,
    return
  }
  func.func @transform_0(%arg0: i32) -> (i32, i32) {
    %c0_i32 = arith.constant 0 : i32
    %c0_i32_0 = arith.constant 0 : i32
    return %arg0, %c0_i32 : i32, i32
  }
  func.func @transform_1(%arg0: i32) -> (i32, i32, i32) {
    %c0_i32 = arith.constant 0 : i32
    %c0_i32_0 = arith.constant 0 : i32
    %c0_i32_1 = arith.constant 0 : i32
    return %arg0, %c0_i32, %c0_i32_0 : i32, i32, i32
  }
  func.func @transform_2(%arg0: i32) -> (i32, i32) {
    %c0_i32 = arith.constant 0 : i32
    %c0_i32_0 = arith.constant 0 : i32
    return %c0_i32, %arg0 : i32, i32
  }
}

</mosaic_0001>

<sc_bundles>
// kernel: kernel.10.cloned.1.call-start
scs
__scs_entry_jumppad:
0x0: {  	(pc) =	sbr.rel $0x88, $3  }
0x1: {  	(tag) =	ssettag $0x0;
	lr =	simm.s32 $0x1  }
0x2: {  	[smem:$0x3F9F] =	sst lr;
	_ =	strace $0xD0000000  }
0x3: {  	_ = 	snop  }
0x4: {  	_ = 	snop  }
0x5: {  	_ = 	snop  }
0x6: {  	_ = 	snop  }
0x7: {  	_ = 	snop  }
__scs_overlays_trampoline_lowered:
0x8: {  	[smem:$0x3FAE] =	sst s0  }
0x9: {  	[smem:$0x3FAF] =	sst s1  }
0xa: {  	[smem:$0x3FB0] =	sst s2  }
0xb: {  	[smem:$0x3FB1] =	sst s3  }
0xc: {  	[smem:$0x3FB2] =	sst s4  }
0xd: {  	[smem:$0x3FB3] =	sst s5  }
0xe: {  	[smem:$0x3FB4] =	sst s6  }
0xf: {  	[smem:$0x3FB5] =	sst s7  }
0x10: {  	[smem:$0x3FB6] =	sst s8  }
0x11: {  	[smem:$0x3FB7] =	sst s9;
	s0 =	simm.s32 @!p0 $0x0  }
0x12: {  	s1 =	sld [smem:$0x3F9D];
	s0 =	simm.s32 @p0 $0x1  }
0x13: {  	[smem:$0x3FB8] =	sst s0;
	s0 =	simm.s32 @!p1 $0x0  }
0x14: {  	s2 =	sld [smem:$0x3F9C];
	s0 =	simm.s32 @p1 $0x1  }
0x15: {  	[smem:$0x3FB9] =	sst s0;
	s0 =	simm.s32 @!p2 $0x0  }
0x16: {  	s3 =	sld [smem:$0x3FDB];
	s0 =	simm.s32 @p2 $0x1  }
0x17: {  	s4 =	simm.s32 $0x1BF5;
	[smem:$0x3FBB] =	sst s0  }
0x18: {  	s0 =	sld [smem:$0x3F9E];
	_ =	swait.ge [sflag:s4], $0x0  }
0x19: {  	s7 =	sld [smem:$0x3F9F]  }
0x1a: {  	s8 =	sadd.s32 $0xFFFFE003, lr  }
0x1b: {  	s9 =	sadd.s32 $0xFFFFFEF7, lr;
	s5 =	simm.s32 $0xFFFFFFFF;
	p2 =	slt.u32 s8, $0xFFFFF086  }
0x1c: {  	p1 =	slt.u32 s9, $0xF7A;
	s5 =	simm.s32 @!p2 $0x0  }
0x1d: {  	s5 =	simm.s32 @p1 $0x1;
	p0 =	seq.s32 s7, s2  }
0x1e: {  	s7 =	smul.u32 @!p0 $0xF7A, s2;
	p2 =	seq.s32 @!p0 s5, $0x0  }
0x1f: {  	s9 =	smul.u32 $0xF7A, s1;
	s8 =	simm.s32 @!p0 $0x1BF5;
	p2 =	por !p2, p0  }
0x20: {  	[sflag:s8] =	ssyncset.s32 @!p0 $0xFFFFF086;
	s6 =	sadd.s32 @!p0 s3, s7;
	s7 =	simm.s32 @!p0 $0x108  }
0x21: {  	s3 =	sadd.s32 s3, s9;
	s6 =	sadd.s32 @!p0 $0x88, s6;
	s7 =	simm.s32 @p2 $0x1082  }
0x22: {  	[simem:s7], [sflag:s8] =	dma.local @!p0 [hbm:s6], $0xF7A  }
0x23: {  	s9 =	sor.u32 $0xD0000000, s2;
	s6 =	simm.s32 $0x108;
	_ =	swait.ge @!p0 [sflag:s8], $0x0  }
0x24: {  	s3 =	sadd.s32 $0x88, s3;
	s6 =	simm.s32 @!p1 $0x1082;
	[sflag:s4] =	ssyncset.s32 $0xFFFFF086  }
0x25: {  	[simem:s6], [sflag:s4] =	dma.local [hbm:s3], $0xF7A  }
0x26: {  	[smem:$0x3F9F] =	sst s1;
	(tag) =	ssettag s2;
	_ =	strace s9  }
0x27: {  	s1 =	sld [smem:$0x3FAF]  }
0x28: {  	s2 =	sld [smem:$0x3FB0]  }
0x29: {  	s4 =	sld [smem:$0x3FB2]  }
0x2a: {  	p0 =	seq.s32 s5, $0x0;
	s5 =	sld [smem:$0x3FB3]  }
0x2b: {  	s6 =	sld [smem:$0x3FB4]  }
0x2c: {  	s7 =	sld [smem:$0x3FB5]  }
0x2d: {  	s3 =	simm.s32 $0x108;
	s8 =	sld [smem:$0x3FB6]  }
0x2e: {  	s3 =	simm.s32 @!p0 $0x1082;
	s9 =	sld [smem:$0x3FB7]  }
0x2f: {  	lr =	sadd.s32 s0, s3;
	s0 =	sld [smem:$0x3FAE]  }
0x30: {  	s3 =	sld [smem:$0x3FB1]  }
0x31: {  	[smem:$0x3FBA] =	sst s10  }
0x32: {  	s10 =	sld [smem:$0x3FB8];
	_ =	sdelay $0x3  }
0x33: {  	p0 =	seq.s32 s10, $0x1;
	s10 =	sld [smem:$0x3FBA];
	_ =	sdelay $0x3  }
0x34: {  	[smem:$0x3FBA] =	sst s10  }
0x35: {  	s10 =	sld [smem:$0x3FB9];
	_ =	sdelay $0x3  }
0x36: {  	p1 =	seq.s32 s10, $0x1;
	s10 =	sld [smem:$0x3FBA];
	_ =	sdelay $0x3  }
0x37: {  	[smem:$0x3FBA] =	sst s10  }
0x38: {  	s10 =	sld [smem:$0x3FBB]  }
0x39: {  	_ = 	snop;
	(pc) =	sbr.ind lr, $3  }
0x3a: {  	_ = 	snop  }
0x3b: {  	_ = 	snop  }
0x3c: {  	p2 =	seq.s32 s10, $0x1;
	s10 =	sld [smem:$0x3FBA]  }
0x3d: {  	_ =	shalt  }
0x3e: {  	_ =	shalt  }
0x3f: {  	_ =	shalt  }
0x40: {  	_ =	shalt  }
0x41: {  	_ =	shalt  }
0x42: {  	_ =	shalt  }
0x43: {  	_ =	shalt  }
0x44: {  	_ =	shalt  }
0x45: {  	_ =	shalt  }
0x46: {  	_ =	shalt  }
0x47: {  	_ =	shalt  }
0x48: {  	_ =	shalt  }
0x49: {  	_ =	shalt  }
0x4a: {  	_ =	shalt  }
0x4b: {  	_ =	shalt  }
0x4c: {  	_ =	shalt  }
0x4d: {  	_ =	shalt  }
0x4e: {  	_ =	shalt  }
0x4f: {  	_ =	shalt  }
0x50: {  	_ =	shalt  }
0x51: {  	_ =	shalt  }
0x52: {  	_ =	shalt  }
0x53: {  	_ =	shalt  }
0x54: {  	_ =	shalt  }
0x55: {  	_ =	shalt  }
0x56: {  	_ =	shalt  }
0x57: {  	_ =	shalt  }
0x58: {  	_ =	shalt  }
0x59: {  	_ =	shalt  }
0x5a: {  	_ =	shalt  }
0x5b: {  	_ =	shalt  }
0x5c: {  	_ =	shalt  }
0x5d: {  	_ =	shalt  }
0x5e: {  	_ =	shalt  }
0x5f: {  	_ =	shalt  }
0x60: {  	_ =	shalt  }
0x61: {  	_ =	shalt  }
0x62: {  	_ =	shalt  }
0x63: {  	_ =	shalt  }
0x64: {  	_ =	shalt  }
0x65: {  	_ =	shalt  }
0x66: {  	_ =	shalt  }
0x67: {  	_ =	shalt  }
0x68: {  	_ =	shalt  }
0x69: {  	_ =	shalt  }
0x6a: {  	_ =	shalt  }
0x6b: {  	_ =	shalt  }
0x6c: {  	_ =	shalt  }
0x6d: {  	_ =	shalt  }
0x6e: {  	_ =	shalt  }
0x6f: {  	_ =	shalt  }
0x70: {  	_ =	shalt  }
0x71: {  	_ =	shalt  }
0x72: {  	_ =	shalt  }
0x73: {  	_ =	shalt  }
0x74: {  	_ =	shalt  }
0x75: {  	_ =	shalt  }
0x76: {  	_ =	shalt  }
0x77: {  	_ =	shalt  }
0x78: {  	_ =	shalt  }
0x79: {  	_ =	shalt  }
0x7a: {  	_ =	shalt  }
0x7b: {  	_ =	shalt  }
0x7c: {  	_ =	shalt  }
0x7d: {  	_ =	shalt  }
0x7e: {  	_ =	shalt  }
0x7f: {  	_ =	shalt  }
0x80: {  	_ =	shalt  }
0x81: {  	_ =	shalt  }
0x82: {  	_ =	shalt  }
0x83: {  	_ =	shalt  }
0x84: {  	_ =	shalt  }
0x85: {  	_ =	shalt  }
0x86: {  	_ =	shalt  }
0x87: {  	_ =	shalt  }
.Lfunc_end0:
.L_simem_size_0:
called_computation.2_lowered:
.L_overlay_start_0:
0x88: {  	s2 =	sld [smem:$0x3FD9]  }
0x89: {  	s3 =	sld [smem:$0x3FFE];
	_ =	sdelay $0x1  }
0x8a: {  	s1 =	srdreg.scid  }
0x8b: {  	s0 =	sand.u32 $0x1, s1  }
0x8c: {  	s17 =	sshll.u32 s0, $0xA;
	s2 =	sadd.s32 s3, s2  }
0x8d: {  	s2 =	sadd.s32 s2, s17  }
0x8e: {  	[smem:$0x3FC6] =	sst s2  }
0x8f: {  	_ = 	snop  }
0x90: {  	(tm) =	ssettm $0x1  }
0x91: {  	s18 =	sld [smem:$0x3FFB];
	_ =	sdelay $0x3  }
0x92: {  	_ =	strace s18  }
0x93: {  	s2 =	sld [smem:$0x3FFC];
	_ =	sdelay $0x3  }
0x94: {  	_ =	strace s2  }
0x95: {  	s2 =	sld [smem:$0x3FFD];
	_ =	sdelay $0x3  }
0x96: {  	_ =	strace s2  }
0x97: {  	_ =	strace $0x8FFFFFFF  }
0x98: {  	s19 =	sld [smem:$0x3FDB];
	_ =	sdelay $0x1  }
0x99: {  	s20 =	simm.s32 $_scs_section_size  }
0x9a: {  	s4 =	simm.s32 $_size__tile_overlayer_lowered;
	s5 =	simm.s32 $_tile_overlayer_lowered  }
0x9b: {  	s6 =	simm.s32 $0x1BFF;
	s21 =	sshll.u32 s5, $0x1;
	s3 =	sadd.s32 s20, s19  }
0x9c: {  	s22 =	simm.s32 $0x0;
	s4 =	sshll.u32 s4, $0x1;
	s5 =	sadd.s32 s21, s3  }
0x9d: {  	[timem:s22], [sflag:s6] =	dma.local [hbm:s5], s4  }
0x9e: {  	_ =	swait.ge [sflag:s6], s4  }
0x9f: {  	s4 =	ssub.s32 $0x0, s4;
	[sflag:s6] =	ssyncset.done $0x0  }
0xa0: {  	[sflag:s6] =	ssyncadd.s32 s4;
	_ =	sdelay $0x1  }
0xa1: {  	s23 =	simm.s32 $0x1B8B  }
0xa2: {  	_ =	swait.ge [sflag:s23], $0x1  }
0xa3: {  	[sflag:s23] =	ssyncset.done $0x0  }
0xa4: {  	[sflag:s23] =	ssyncadd.s32 $0xFFFFFFFF  }
0xa5: {  	s4 =	sld [smem:$0x0]  }
0xa6: {  	s5 =	sand.u32 $0xFFFFFFFE, s1  }
0xa7: {  	p0 =	sne.s32 s1, s5  }
0xa8: {  	s5 =	sshll.u32 @p0 s5, $0xE  }
0xa9: {  	s5 =	sadd.s32 @p0 $0x11B8D, s5;
	s6 =	sshll.u32 @p0 s4, $0x11  }
0xaa: {  	s5 =	sor.u32 @p0 s6, s5  }
0xab: {  	[sflag:s5] =	ssyncadd.remote.s32 @p0 $0x1;
	_ =	sdelay $0x1  }
0xac: {  	s5 =	simm.s32 @p0 $0x1B8D  }
0xad: {  	_ =	swait.eq @p0 [sflag:s5], $0x1  }
0xae: {  	[sflag:s5] =	ssyncadd.s32 @p0 $0xFFFFFFFF  }
0xaf: {  	s6 =	sshll.u32 @!p0 s1, $0xE  }
0xb0: {  	s6 =	sor.u32 @!p0 $0x4000, s6;
	s5 =	simm.s32 @!p0 $0x1B8D  }
0xb1: {  	s4 =	sshll.u32 @!p0 s4, $0x11;
	s6 =	sadd.s32 @!p0 $0x11B8D, s6;
	_ =	swait.eq @!p0 [sflag:s5], $0x1  }
0xb2: {  	s4 =	sor.u32 @!p0 s4, s6;
	[sflag:s5] =	ssyncadd.s32 @!p0 $0xFFFFFFFF  }
0xb3: {  	s25 =	simm.s32 $0x1B8E;
	s24 =	sld [smem:$0x3FFE];
	[sflag:s4] =	ssyncadd.remote.s32 @!p0 $0x1  }
0xb4: {  	s26 =	simm.s32 $execute0_lowered;
	[smem:$0x3FD2] =	sst s25  }
0xb5: {  	s5 =	sshll.u32 s26, $0x1;
	_ =	strace $0x8000004C;
	[dreg:$0x1] =	wrdreg $0xFFFFFFFF  }
0xb6: {  	s28 =	simm.s32 $_size_execute0_lowered;
	s3 =	sadd.s32 s3, s5;
	[dreg:$0x0] =	wrdreg $0x0  }
0xb7: {  	s5 =	sshll.u32 s28, $0x1;
	[dreg:$0x2] =	wrdreg s3  }
0xb8: {  	[dreg:$0x3] =	wrdreg s5  }
0xb9: {  	[dreg:$0x4] =	wrdreg $0xC0  }
0xba: {  	_ =	task [dreg:s22], $0x5FFFF  }
0xbb: {  	[dreg:$0x1] =	wrdreg $0xFFFFFFFF  }
0xbc: {  	[dreg:$0x0] =	wrdreg $0x60  }
0xbd: {  	[dreg:$0x2] =	wrdreg s24  }
0xbe: {  	[dreg:$0x3] =	wrdreg $0xA  }
0xbf: {  	_ =	task.clear_ibuf [dreg:s22], $0x4FFFF;
	_ =	strace $0x9000004C  }
0xc0: {  	s29 =	simm.s32 $0xA;
	_ =	strace $0x8000004E  }
0xc1: {  	_ =	swait.ge [sflag:s29], $0x1  }
0xc2: {  	[sflag:s29] =	ssyncadd.s32 $0xFFFFFFFF  }
0xc3: {  	_ =	strace $0x9000004E  }
0xc4: {  	_ =	sfence  }
0xc5: {  	s30 =	sld [smem:$0x0];
	_ =	sdelay $0x2  }
0xc6: {  	s31 =	sshll.u32 s1, $0xD;
	s1 =	sshrl.u32 s1, $0x2  }
0xc7: {  	s4 =	sand.u32 $0x4000, s31;
	s1 =	sadd.s32 s1, s30  }
0xc8: {  	s0 =	sor.u32 s4, s0;
	s1 =	sshll.u32 s1, $0x11  }
0xc9: {  	s0 =	sor.u32 s1, s0  }
0xca: {  	s0 =	sadd.s32 $0x8F2B, s0  }
0xcb: {  	[sflag:s0] =	ssyncadd.remote.s32 $0x1  }
0xcc: {  	_ =	sfence.sel $0xFFFF  }
0xcd: {  	[dreg:$0x0] =	wrdreg $0xFFFFFFFF;
	(pc) =	sbr.abs _section_cstart, $3  }
0xce: {  	[dreg:$0x1] =	wrdreg $0xFFFFFFFF  }
0xcf: {  	_ =	task.clear_ibuf [dreg:s22], $0x2FFFF;
	_ =	strace $0x9FFFFFFF  }
0xd0: {  	(tm) =	ssettm $0x7FFFFFFF  }
0xd1: {  	_ =	shalt  }
tec
execute0_lowered:
.L_overlay_start_1:
0x0: {  	(tag) =	ssettag $0x1  }
0x1: {  	s1 =	srdreg.scid;
	s0 =	stileid.u32  }
0x2: {  	s3 =	sand.u32 $0x1, s1;
	s31 =	sshll.u32 s0, $0x1  }
0x3: {  	s4 =	rddreg [dreg:$0x0];
	s2 =	simm.s32 $0x0;
	s1 =	sor.u32 s3, s31  }
0x4: {  	[smem:$0x7FF] =	sst s2;
	s3 =	ssub.s32 $0x2, s3;
	s6 =	smul.u32 $0x55F0, s1  }
0x5: {  	s8 =	simm.s32 $0x0;
	s1 =	rddreg [dreg:$0x1];
	s7 =	sshrl.u32 s3, $0x1  }
0x6: {  	_ =	strace $0x8000004D;
	s7 =	ssub.s32 s3, s7;
	s5 =	sshrl.u32 s6, $0x3  }
0x7: {  	s3 =	sadd.s32 $0x9400, s4;
	v0 =	vmov s6;
	s6 =	simm.s32 $0x5600;
	s5 =	sadd.s32 s5, s4  }
0x8: {  	v1 =	vimm.s32 $0xFFFFFFFF;
	v2 =	vlaneseq.u32;
	s4 =	sadd.s32 $0x10D400, s5;
	s5 =	smax.u32 s7, $0x1;
	s7 =	simm.s32 $0x1  }
.LBB2_1:
0x9: {  	s9 =	simm.s32 $0x40;
	s10 =	simm.s32 $0x0  }
.LBB2_2:
0xa: {  	p0 =	sne.s32 s9, $0x15780;
	[tilespmem:s10+$0x0] =	vst v1;
	s10 =	smov.u32 s9;
	s9 =	sadd.s32 $0x40, s9  }
.Ltmp0:
0xb: {  	(pc) =	sbr.rel @p0 .LBB2_2-.Ltmp0, $2  }
0xc: {  	_ =	sdelay $0x2  }
0xd: {  	s10 =	sshra.s32 s10, $0x2  }
0xe: {  	[tilespmem:s10+$0x0] =	vst v1;
	s9 =	simm.s32 $0x0;
	s10 =	simm.s32 $0x0;
	s11 =	simm.s32 $0x0  }
.LBB2_4:
0xf: {  	s12 =	sshll.u32 s11, $0xA  }
0x10: {  	s12 =	sadd.s32 s3, s12  }
0x11: {  	[tilespmem:s6], [sflag:$0x1] =	stream.linear.gather [hbm4b:s12+s9], $0x2000, $0x38;
	[tilespmem:$0x7600] =	vst v63  }
0x12: {  	_ =	swait.ge [sflag:s7], $0x2000  }
0x13: {  	[sflag:s7] =	ssyncset.done $0x0  }
0x14: {  	s31 =	simm.s32 $0x0;
	[sflag:s7] =	ssyncadd.s32 $0xFFFFE000  }
0x15: {  	v3 =	vld [tilespmem:s31+$0x5600];
	_ =	sdelay $0x4  }
0x16: {  	v3 =	vsub.s32 v3, v0  }
0x17: {  	vm0 =	vgt.s32 v3, $0x0  }
0x18: {  	vm1 =	vlt.u32 v3, $0x55F0;
	v3 =	vnsel vm0, $0x0, v3  }
0x19: {  	v3 =	vmin.u32 v3, $0x55EF;
	_ =	sdelay $0x3  }
0x1a: {  	v4 =	vor.u32 s10, v2  }
0x1b: {  	s14 =	simm.s32 $0x10;
	s13 =	simm.s32 $0x80;
	s12 =	smov.u32 s10;
	[tilespmem:v3+s2+$0x0] =	vst.idx.msk vm1, v4  }
.LBB2_5:
0x1c: {  	p0 =	sne.s32 s13, $0x7FC0;
	v3 =	vld [tilespmem:s14+$0x5600];
	_ =	sdelay $0x4  }
0x1d: {  	v3 =	vsub.s32 v3, v0  }
0x1e: {  	vm0 =	vgt.s32 v3, $0x0  }
0x1f: {  	vm1 =	vlt.u32 v3, $0x55F0;
	v3 =	vnsel vm0, $0x0, v3  }
0x20: {  	v3 =	vmin.u32 v3, $0x55EF  }
.Ltmp1:
0x21: {  	(pc) =	sbr.rel @p0 .LBB2_5-.Ltmp1, $4  }
0x22: {  	_ = 	snop  }
0x23: {  	s12 =	sadd.s32 $0x10, s12  }
0x24: {  	v4 =	vor.u32 s12, v2  }
0x25: {  	s14 =	sshra.s32 s13, $0x2;
	s13 =	sadd.s32 $0x40, s13;
	[tilespmem:v3+s2+$0x0] =	vst.idx.msk vm1, v4  }
0x26: {  	v3 =	vld [tilespmem:s14+$0x5600];
	_ =	sdelay $0x4  }
0x27: {  	v3 =	vsub.s32 v3, v0  }
0x28: {  	vm0 =	vgt.s32 v3, $0x0  }
0x29: {  	s11 =	sadd.s32 $0x1, s11;
	vm1 =	vlt.u32 v3, $0x55F0;
	v3 =	vnsel vm0, $0x0, v3  }
0x2a: {  	p0 =	sne.s32 s11, $0x10;
	v3 =	vmin.u32 v3, $0x55EF  }
.Ltmp2:
0x2b: {  	_ = 	snop;
	(pc) =	sbr.rel @p0 .LBB2_4-.Ltmp2, $4  }
0x2c: {  	_ = 	snop  }
0x2d: {  	s12 =	sadd.s32 $0x10, s12  }
0x2e: {  	v4 =	vor.u32 s12, v2  }
0x2f: {  	s10 =	sadd.s32 $0x2000, s10;
	[tilespmem:v3+s2+$0x0] =	vst.idx.msk vm1, v4  }
0x30: {  	s8 =	sadd.s32 $0x1, s8  }
0x31: {  	p0 =	sne.s32 s8, s5  }
.Ltmp3:
0x32: {  	_ = 	snop;
	(pc) =	sbr.rel @p0 .LBB2_1-.Ltmp3, $4  }
0x33: {  	[hbm4b:s4+s2] =	stream.linear.scatter [tilespmem:s2], [sflag:$0x1], $0x55F0, $0x38;
	[tilespmem:$0x7600] =	vst v63  }
0x34: {  	_ =	swait.ge [sflag:s7], $0x55F0  }
0x35: {  	[sflag:s7] =	ssyncset.done $0x0  }
0x36: {  	[sflag:s7] =	ssyncadd.s32 $0xFFFFAA10  }
0x37: {  	_ =	sfence.sel $0x180000  }
0x38: {  	[bflag:$0x0] =	sbarrier.arrive $0xFFFF  }
0x39: {  	p0 =	sne.s32 s0, $0x0;
	_ =	strace $0x9000004D  }
0x3a: {  	s0 =	sadd.s32 @!p0 $0x100000, s1;
	[bflag:$0x2] =	sbarrier.arrive $0xFFFF  }
0x3b: {  	[sflag:s0] =	ssyncadd.tile.s32 @!p0 $0x1;
	_ =	shalt  }
.Lfunc_end2:
_tile_overlayer_lowered:
.L_overlay_start_2:
0x3c: {  	(tag) =	ssettag $0x2  }
0x3d: {  	s0 =	rddreg [dreg:$0x0];
	s2 =	stileid.u32  }
0x3e: {  	s1 =	rddreg [dreg:$0x1];
	p0 =	sne.s32 s2, $0x0  }
0x3f: {  	s3 =	rddreg [dreg:$0x2];
	[bflag:$0x3] =	sbarrier.arrive $0xFFFF;
	s2 =	simm.s32 @!p0 $0x1C01  }
0x40: {  	[timem:s3], [sflag:s2] =	dma.local @!p0 [hbm:s0], s1  }
0x41: {  	s0 =	simm.s32 @!p0 $0x1  }
0x42: {  	_ =	swait.ge @!p0 [sflag:s0], s1  }
0x43: {  	s1 =	ssub.s32 @!p0 $0x0, s1;
	[sflag:s0] =	ssyncset.done @!p0 $0x0  }
0x44: {  	[sflag:s0] =	ssyncadd.s32 @!p0 s1  }
0x45: {  	[bflag:$0x3] =	sbarrier.arrive $0xFFFF  }
0x46: {  	_ =	shalt  }

// kernel: kernel.13.cloned.1.call-start
scs
__scs_entry_jumppad:
0x0: {  	(pc) =	sbr.rel $0x88, $3  }
0x1: {  	(tag) =	ssettag $0x0;
	lr =	simm.s32 $0x1  }
0x2: {  	[smem:$0x3F9F] =	sst lr;
	_ =	strace $0xD0000000  }
0x3: {  	_ = 	snop  }
0x4: {  	_ = 	snop  }
0x5: {  	_ = 	snop  }
0x6: {  	_ = 	snop  }
0x7: {  	_ = 	snop  }
__scs_overlays_trampoline_lowered:
0x8: {  	[smem:$0x3FAE] =	sst s0  }
0x9: {  	[smem:$0x3FAF] =	sst s1  }
0xa: {  	[smem:$0x3FB0] =	sst s2  }
0xb: {  	[smem:$0x3FB1] =	sst s3  }
0xc: {  	[smem:$0x3FB2] =	sst s4  }
0xd: {  	[smem:$0x3FB3] =	sst s5  }
0xe: {  	[smem:$0x3FB4] =	sst s6  }
0xf: {  	[smem:$0x3FB5] =	sst s7  }
0x10: {  	[smem:$0x3FB6] =	sst s8  }
0x11: {  	[smem:$0x3FB7] =	sst s9;
	s0 =	simm.s32 @!p0 $0x0  }
0x12: {  	s1 =	sld [smem:$0x3F9D];
	s0 =	simm.s32 @p0 $0x1  }
0x13: {  	[smem:$0x3FB8] =	sst s0;
	s0 =	simm.s32 @!p1 $0x0  }
0x14: {  	s2 =	sld [smem:$0x3F9C];
	s0 =	simm.s32 @p1 $0x1  }
0x15: {  	[smem:$0x3FB9] =	sst s0;
	s0 =	simm.s32 @!p2 $0x0  }
0x16: {  	s3 =	sld [smem:$0x3FDB];
	s0 =	simm.s32 @p2 $0x1  }
0x17: {  	s4 =	simm.s32 $0x1BF5;
	[smem:$0x3FBB] =	sst s0  }
0x18: {  	s0 =	sld [smem:$0x3F9E];
	_ =	swait.ge [sflag:s4], $0x0  }
0x19: {  	s7 =	sld [smem:$0x3F9F]  }
0x1a: {  	s8 =	sadd.s32 $0xFFFFE003, lr  }
0x1b: {  	s9 =	sadd.s32 $0xFFFFFEF7, lr;
	s5 =	simm.s32 $0xFFFFFFFF;
	p2 =	slt.u32 s8, $0xFFFFF086  }
0x1c: {  	p1 =	slt.u32 s9, $0xF7A;
	s5 =	simm.s32 @!p2 $0x0  }
0x1d: {  	s5 =	simm.s32 @p1 $0x1;
	p0 =	seq.s32 s7, s2  }
0x1e: {  	s7 =	smul.u32 @!p0 $0xF7A, s2;
	p2 =	seq.s32 @!p0 s5, $0x0  }
0x1f: {  	s9 =	smul.u32 $0xF7A, s1;
	s8 =	simm.s32 @!p0 $0x1BF5;
	p2 =	por !p2, p0  }
0x20: {  	[sflag:s8] =	ssyncset.s32 @!p0 $0xFFFFF086;
	s6 =	sadd.s32 @!p0 s3, s7;
	s7 =	simm.s32 @!p0 $0x108  }
0x21: {  	s3 =	sadd.s32 s3, s9;
	s6 =	sadd.s32 @!p0 $0x88, s6;
	s7 =	simm.s32 @p2 $0x1082  }
0x22: {  	[simem:s7], [sflag:s8] =	dma.local @!p0 [hbm:s6], $0xF7A  }
0x23: {  	s9 =	sor.u32 $0xD0000000, s2;
	s6 =	simm.s32 $0x108;
	_ =	swait.ge @!p0 [sflag:s8], $0x0  }
0x24: {  	s3 =	sadd.s32 $0x88, s3;
	s6 =	simm.s32 @!p1 $0x1082;
	[sflag:s4] =	ssyncset.s32 $0xFFFFF086  }
0x25: {  	[simem:s6], [sflag:s4] =	dma.local [hbm:s3], $0xF7A  }
0x26: {  	[smem:$0x3F9F] =	sst s1;
	(tag) =	ssettag s2;
	_ =	strace s9  }
0x27: {  	s1 =	sld [smem:$0x3FAF]  }
0x28: {  	s2 =	sld [smem:$0x3FB0]  }
0x29: {  	s4 =	sld [smem:$0x3FB2]  }
0x2a: {  	p0 =	seq.s32 s5, $0x0;
	s5 =	sld [smem:$0x3FB3]  }
0x2b: {  	s6 =	sld [smem:$0x3FB4]  }
0x2c: {  	s7 =	sld [smem:$0x3FB5]  }
0x2d: {  	s3 =	simm.s32 $0x108;
	s8 =	sld [smem:$0x3FB6]  }
0x2e: {  	s3 =	simm.s32 @!p0 $0x1082;
	s9 =	sld [smem:$0x3FB7]  }
0x2f: {  	lr =	sadd.s32 s0, s3;
	s0 =	sld [smem:$0x3FAE]  }
0x30: {  	s3 =	sld [smem:$0x3FB1]  }
0x31: {  	[smem:$0x3FBA] =	sst s10  }
0x32: {  	s10 =	sld [smem:$0x3FB8];
	_ =	sdelay $0x3  }
0x33: {  	p0 =	seq.s32 s10, $0x1;
	s10 =	sld [smem:$0x3FBA];
	_ =	sdelay $0x3  }
0x34: {  	[smem:$0x3FBA] =	sst s10  }
0x35: {  	s10 =	sld [smem:$0x3FB9];
	_ =	sdelay $0x3  }
0x36: {  	p1 =	seq.s32 s10, $0x1;
	s10 =	sld [smem:$0x3FBA];
	_ =	sdelay $0x3  }
0x37: {  	[smem:$0x3FBA] =	sst s10  }
0x38: {  	s10 =	sld [smem:$0x3FBB]  }
0x39: {  	_ = 	snop;
	(pc) =	sbr.ind lr, $3  }
0x3a: {  	_ = 	snop  }
0x3b: {  	_ = 	snop  }
0x3c: {  	p2 =	seq.s32 s10, $0x1;
	s10 =	sld [smem:$0x3FBA]  }
0x3d: {  	_ =	shalt  }
0x3e: {  	_ =	shalt  }
0x3f: {  	_ =	shalt  }
0x40: {  	_ =	shalt  }
0x41: {  	_ =	shalt  }
0x42: {  	_ =	shalt  }
0x43: {  	_ =	shalt  }
0x44: {  	_ =	shalt  }
0x45: {  	_ =	shalt  }
0x46: {  	_ =	shalt  }
0x47: {  	_ =	shalt  }
0x48: {  	_ =	shalt  }
0x49: {  	_ =	shalt  }
0x4a: {  	_ =	shalt  }
0x4b: {  	_ =	shalt  }
0x4c: {  	_ =	shalt  }
0x4d: {  	_ =	shalt  }
0x4e: {  	_ =	shalt  }
0x4f: {  	_ =	shalt  }
0x50: {  	_ =	shalt  }
0x51: {  	_ =	shalt  }
0x52: {  	_ =	shalt  }
0x53: {  	_ =	shalt  }
0x54: {  	_ =	shalt  }
0x55: {  	_ =	shalt  }
0x56: {  	_ =	shalt  }
0x57: {  	_ =	shalt  }
0x58: {  	_ =	shalt  }
0x59: {  	_ =	shalt  }
0x5a: {  	_ =	shalt  }
0x5b: {  	_ =	shalt  }
0x5c: {  	_ =	shalt  }
0x5d: {  	_ =	shalt  }
0x5e: {  	_ =	shalt  }
0x5f: {  	_ =	shalt  }
0x60: {  	_ =	shalt  }
0x61: {  	_ =	shalt  }
0x62: {  	_ =	shalt  }
0x63: {  	_ =	shalt  }
0x64: {  	_ =	shalt  }
0x65: {  	_ =	shalt  }
0x66: {  	_ =	shalt  }
0x67: {  	_ =	shalt  }
0x68: {  	_ =	shalt  }
0x69: {  	_ =	shalt  }
0x6a: {  	_ =	shalt  }
0x6b: {  	_ =	shalt  }
0x6c: {  	_ =	shalt  }
0x6d: {  	_ =	shalt  }
0x6e: {  	_ =	shalt  }
0x6f: {  	_ =	shalt  }
0x70: {  	_ =	shalt  }
0x71: {  	_ =	shalt  }
0x72: {  	_ =	shalt  }
0x73: {  	_ =	shalt  }
0x74: {  	_ =	shalt  }
0x75: {  	_ =	shalt  }
0x76: {  	_ =	shalt  }
0x77: {  	_ =	shalt  }
0x78: {  	_ =	shalt  }
0x79: {  	_ =	shalt  }
0x7a: {  	_ =	shalt  }
0x7b: {  	_ =	shalt  }
0x7c: {  	_ =	shalt  }
0x7d: {  	_ =	shalt  }
0x7e: {  	_ =	shalt  }
0x7f: {  	_ =	shalt  }
0x80: {  	_ =	shalt  }
0x81: {  	_ =	shalt  }
0x82: {  	_ =	shalt  }
0x83: {  	_ =	shalt  }
0x84: {  	_ =	shalt  }
0x85: {  	_ =	shalt  }
0x86: {  	_ =	shalt  }
0x87: {  	_ =	shalt  }
.Lfunc_end0:
.L_simem_size_0:
called_computation.3_lowered:
.L_overlay_start_0:
0x88: {  	s2 =	sld [smem:$0x3FD9]  }
0x89: {  	s3 =	sld [smem:$0x3FFE];
	_ =	sdelay $0x1  }
0x8a: {  	s1 =	srdreg.scid  }
0x8b: {  	s0 =	sand.u32 $0x1, s1  }
0x8c: {  	s17 =	sshll.u32 s0, $0xA;
	s2 =	sadd.s32 s3, s2  }
0x8d: {  	s2 =	sadd.s32 s2, s17  }
0x8e: {  	[smem:$0x3FC6] =	sst s2  }
0x8f: {  	_ = 	snop  }
0x90: {  	s2 =	sld [smem:$0x3FD0];
	(tm) =	ssettm $0x1  }
0x91: {  	s18 =	sld [smem:$0x3FFB];
	_ =	sdelay $0x3  }
0x92: {  	_ =	strace s18  }
0x93: {  	s3 =	sld [smem:$0x3FFC];
	_ =	sdelay $0x3  }
0x94: {  	_ =	strace s3  }
0x95: {  	s3 =	sld [smem:$0x3FFD];
	_ =	sdelay $0x3  }
0x96: {  	_ =	strace s3  }
0x97: {  	_ =	strace $0x8FFFFFFF  }
0x98: {  	s19 =	sld [smem:$0x3FDB];
	_ =	sdelay $0x1  }
0x99: {  	s4 =	simm.s32 $_scs_section_size  }
0x9a: {  	s5 =	simm.s32 $_size__tile_overlayer_lowered;
	s6 =	simm.s32 $_tile_overlayer_lowered  }
0x9b: {  	s22 =	simm.s32 $0x1BFF;
	s21 =	sshll.u32 s6, $0x1;
	s3 =	sadd.s32 s4, s19  }
0x9c: {  	s7 =	simm.s32 $0x0;
	s20 =	sshll.u32 s5, $0x1;
	s5 =	sadd.s32 s21, s3  }
0x9d: {  	[timem:s7], [sflag:s22] =	dma.local [hbm:s5], s20  }
0x9e: {  	_ =	swait.ge [sflag:s22], s20  }
0x9f: {  	s4 =	ssub.s32 $0x0, s20;
	[sflag:s22] =	ssyncset.done $0x0  }
0xa0: {  	[sflag:s22] =	ssyncadd.s32 s4;
	_ =	sdelay $0x1  }
0xa1: {  	s23 =	simm.s32 $0x1B8B  }
0xa2: {  	_ =	swait.ge [sflag:s23], $0x1  }
0xa3: {  	[sflag:s23] =	ssyncset.done $0x0  }
0xa4: {  	s25 =	simm.s32 $0x1B8E;
	s24 =	sld [smem:$0x3FFE];
	[sflag:s23] =	ssyncadd.s32 $0xFFFFFFFF  }
0xa5: {  	s26 =	simm.s32 $execute0_lowered;
	[smem:$0x3FD2] =	sst s25  }
0xa6: {  	s5 =	sshll.u32 s26, $0x1;
	_ =	strace $0x8000004F;
	[dreg:$0x1] =	wrdreg $0xFFFFFFFF  }
0xa7: {  	s28 =	simm.s32 $_size_execute0_lowered;
	s3 =	sadd.s32 s3, s5;
	[dreg:$0x0] =	wrdreg $0x0  }
0xa8: {  	s5 =	sshll.u32 s28, $0x1;
	[dreg:$0x2] =	wrdreg s3  }
0xa9: {  	[dreg:$0x3] =	wrdreg s5  }
0xaa: {  	[dreg:$0x4] =	wrdreg $0xC0  }
0xab: {  	_ =	task [dreg:s7], $0x5FFFF  }
0xac: {  	[dreg:$0x1] =	wrdreg $0xFFFFFFFF  }
0xad: {  	[dreg:$0x0] =	wrdreg $0x60  }
0xae: {  	[dreg:$0x2] =	wrdreg s24  }
0xaf: {  	[dreg:$0x3] =	wrdreg s2  }
0xb0: {  	[dreg:$0x4] =	wrdreg $0x9C000  }
0xb1: {  	[dreg:$0x5] =	wrdreg $0x9  }
0xb2: {  	_ =	task.clear_ibuf [dreg:s7], $0x6FFFF;
	_ =	strace $0x9000004F  }
0xb3: {  	s29 =	simm.s32 $0x9;
	_ =	strace $0x80000051  }
0xb4: {  	_ =	swait.ge [sflag:s29], $0x1  }
0xb5: {  	[sflag:s29] =	ssyncadd.s32 $0xFFFFFFFF  }
0xb6: {  	_ =	strace $0x90000051  }
0xb7: {  	_ =	sfence  }
0xb8: {  	s30 =	sld [smem:$0x0];
	_ =	sdelay $0x2  }
0xb9: {  	s31 =	sshll.u32 s1, $0xD;
	s1 =	sshrl.u32 s1, $0x2  }
0xba: {  	s3 =	sand.u32 $0x4000, s31;
	s1 =	sadd.s32 s1, s30  }
0xbb: {  	s0 =	sor.u32 s3, s0;
	s1 =	sshll.u32 s1, $0x11  }
0xbc: {  	s0 =	sor.u32 s1, s0  }
0xbd: {  	s0 =	sadd.s32 $0x8F2B, s0  }
0xbe: {  	[sflag:s0] =	ssyncadd.remote.s32 $0x1  }
0xbf: {  	_ =	sfence.sel $0xFFFF  }
0xc0: {  	[dreg:$0x0] =	wrdreg $0xFFFFFFFF;
	(pc) =	sbr.abs _section_cstart, $3  }
0xc1: {  	[dreg:$0x1] =	wrdreg $0xFFFFFFFF  }
0xc2: {  	_ =	task.clear_ibuf [dreg:s7], $0x2FFFF;
	_ =	strace $0x9FFFFFFF  }
0xc3: {  	(tm) =	ssettm $0x7FFFFFFF  }
tec
execute0_lowered:
.L_overlay_start_1:
0x0: {  	(tag) =	ssettag $0x1  }
0x1: {  	s6 =	rddreg [dreg:$0x0]  }
0x2: {  	s1 =	srdreg.scid;
	s0 =	rddreg [dreg:$0x1]  }
0x3: {  	s8 =	stileid.u32;
	s2 =	rddreg [dreg:$0x2]  }
0x4: {  	s3 =	simm.s32 $0x0;
	s11 =	simm.s32 $0x2000;
	s12 =	simm.s32 $0x1000  }
0x5: {  	s13 =	simm.s32 $0x1;
	s14 =	simm.s32 $0x80;
	s15 =	simm.s32 $0x5400  }
0x6: {  	s16 =	simm.s32 $0x2;
	s17 =	simm.s32 $0x10;
	s18 =	simm.s32 $0x9400  }
0x7: {  	s19 =	simm.s32 $0x0;
	s5 =	sand.u32 $0x1, s1;
	s1 =	rddreg [dreg:$0x3]  }
0x8: {  	s4 =	sshll.u32 s8, $0xD;
	[smem:$0x7FF] =	sst s3;
	p0 =	sne.s32 s8, $0x0  }
.Ltmp0:
0x9: {  	s7 =	sshll.u32 s5, $0xC;
	s9 =	ssub.s32 $0x2, s5;
	(pc) =	sbr.rel .LBB2_1-.Ltmp0, $4  }
0xa: {  	_ =	strace $0x80000050;
	s4 =	sor.u32 s7, s4;
	s10 =	sshrl.u32 s9, $0x1  }
0xb: {  	s5 =	sadd.s32 $0x10D400, s6;
	s7 =	sshrl.u32 s4, $0x3;
	s9 =	ssub.s32 s9, s10  }
0xc: {  	s10 =	simm.s32 $0x3;
	s7 =	sadd.s32 s7, s6;
	s6 =	sadd.s32 $0x122C00, s6  }
0xd: {  	v0 =	vlaneseq.u32;
	s8 =	smax.u32 s9, $0x1;
	s9 =	sshrl.u32 @!p0 s2, $0x3;
	s7 =	sadd.s32 $0x9400, s7  }
.LBB2_19:
0xe: {  	[sflag:s16] =	ssyncadd.s32 $0xFFFFF800  }
.LBB2_20:
0xf: {  	s19 =	sadd.s32 $0x1, s19  }
0x10: {  	p1 =	sne.s32 s19, s8  }
.Ltmp1:
0x11: {  	_ = 	snop;
	(pc) =	sbr.rel @!p1 .LBB2_21-.Ltmp1, $1  }
0x12: {  	_ =	sdelay $0x3  }
.LBB2_1:
0x13: {  	s20 =	simm.s32 @!p0 $0x1C03  }
0x14: {  	[spmem:s9], [sflag:s20] =	dma.local @!p0 [hbm:s5], $0x157C0  }
0x15: {  	s20 =	simm.s32 @!p0 $0x3  }
0x16: {  	_ =	swait.ge @!p0 [sflag:s20], $0x157C0  }
0x17: {  	[sflag:s20] =	ssyncset.done @!p0 $0x0  }
0x18: {  	[sflag:s20] =	ssyncadd.s32 @!p0 $0xFFFEA840  }
0x19: {  	[tilespmem:s3], [sflag:$0x3] =	stream.linear.gather [hbm4b:s7+s3], $0x1000, $0x38;
	[tilespmem:$0x147E0] =	vst v63  }
0x1a: {  	_ =	swait.ge [sflag:s10], $0x1000  }
0x1b: {  	[sflag:s10] =	ssyncset.done $0x0  }
0x1c: {  	s20 =	simm.s32 $0x0;
	[sflag:s10] =	ssyncadd.s32 $0xFFFFF000  }
0x1d: {  	v1 =	vld [tilespmem:s20+$0x0]  }
0x1e: {  	s21 =	simm.s32 $0x40  }
.LBB2_2:
0x1f: {  	p1 =	sne.s32 s21, $0x3FC0  }
.Ltmp2:
0x20: {  	_ = 	snop;
	(pc) =	sbr.rel @p1 .LBB2_2-.Ltmp2, $4  }
0x21: {  	_ = 	snop  }
0x22: {  	s22 =	sshra.s32 s21, $0x2;
	s21 =	sadd.s32 $0x40, s21;
	vm0 =	vlt.s32 v1, $0xABDFF  }
0x23: {  	v2 =	vnsel vm0, $0xABDFF, v1;
	v1 =	vld [tilespmem:s22+$0x0]  }
0x24: {  	[tilespmem:s20+$0x2000] =	vst v2;
	s20 =	smov.u32 s22  }
0x25: {  	_ =	sdelay $0x2  }
0x26: {  	vm0 =	vlt.s32 v1, $0xABDFF  }
0x27: {  	v1 =	vnsel vm0, $0xABDFF, v1  }
0x28: {  	[tilespmem:s20+$0x2000] =	vst v1  }
0x29: {  	[bflag:$0x0] =	sbarrier.arrive $0xFFFF  }
0x2a: {  	[tilespmem:s12], [sflag:$0x1] =	stream.indirect.gather [spmem:s2], $0x1, s11, s12, $0xb8;
	[tilespmem:$0x147E0] =	vst v63  }
0x2b: {  	_ =	swait.ge [sflag:s13], $0x1000  }
0x2c: {  	[sflag:s13] =	ssyncset.done $0x0  }
0x2d: {  	s21 =	simm.s32 $0x0;
	[sflag:s13] =	ssyncadd.s32 $0xFFFFF000  }
0x2e: {  	v1 =	vld [tilespmem:s21+$0x1000];
	_ =	sdelay $0x3  }
0x2f: {  	v2 =	vor.u32 s4, v0  }
0x30: {  	vm15 =	veq.s32 v1, v2  }
0x31: {  	v1 =	vmpcnt.ones.xlane vm15;
	_ =	sdelay $0x1  }
0x32: {  	v1 =	vxor.u32 $0x80000000, v1  }
0x33: {  	(xrf0) =	vmax.scan.msk.u32 $0xffff, v1;
	_ =	sdelay $0x3  }
0x34: {  	s20 =	simm.s32 $0x0  }
0x35: {  	[tilespmem:s20+$0x2000] =	vst.msk vm15, v2  }
0x36: {  	v1 =	vld [tilespmem:s21+$0x0];
	v2, _, _ =	vpop (xrf0)  }
0x37: {  	(v2sf) =	vpush v2, $0xF;
	_ =	sdelay $0x3  }
0x38: {  	s23 =	simm.s32 $0x80;
	s22 =	smov.u32 s4;
	s21 =	simm.s32 $0x10;
	[tilespmem:s20+$0x3000] =	vst.msk vm15, v1  }
.LBB2_4:
0x39: {  	p1 =	sne.s32 s23, $0x3FC0;
	v1 =	vld [tilespmem:s21+$0x1000];
	_ =	sdelay $0x2  }
0x3a: {  	s22 =	sadd.s32 $0x10, s22  }
0x3b: {  	v2 =	vor.u32 s22, v0  }
0x3c: {  	vm0 =	veq.s32 v1, v2  }
0x3d: {  	v1 =	vmpcnt.ones.xlane vm0;
	_ =	sdelay $0x1  }
0x3e: {  	v1 =	vxor.u32 $0x80000000, v1  }
0x3f: {  	(xrf0) =	vmax.scan.msk.u32 $0xffff, v1  }
0x40: {  	s24 =	spop (v2sf)  }
0x41: {  	s20 =	sadd.s32 s24, s20  }
0x42: {  	s20 =	sadd.s32 $0x80000000, s20  }
0x43: {  	[tilespmem:s20+$0x2000] =	vst.msk vm0, v2  }
0x44: {  	v1 =	vld [tilespmem:s21+$0x0]  }
0x45: {  	v2, _, _ =	vpop (xrf0)  }
.Ltmp3:
0x46: {  	(v2sf) =	vpush v2, $0xF;
	(pc) =	sbr.rel @p1 .LBB2_4-.Ltmp3, $3  }
0x47: {  	_ =	sdelay $0x1  }
0x48: {  	[tilespmem:s20+$0x3000] =	vst.msk vm0, v1  }
0x49: {  	s21 =	sshra.s32 s23, $0x2;
	s23 =	sadd.s32 $0x40, s23  }
0x4a: {  	v1 =	vld [tilespmem:s21+$0x1000];
	_ =	sdelay $0x2  }
0x4b: {  	s22 =	sadd.s32 $0x10, s22  }
0x4c: {  	v2 =	vor.u32 s22, v0  }
0x4d: {  	vm0 =	veq.s32 v1, v2  }
0x4e: {  	v1 =	vmpcnt.ones.xlane vm0;
	_ =	sdelay $0x1  }
0x4f: {  	v1 =	vxor.u32 $0x80000000, v1  }
0x50: {  	(xrf0) =	vmax.scan.msk.u32 $0xffff, v1;
	_ =	sdelay $0x5  }
0x51: {  	v1, _, _ =	vpop (xrf0)  }
0x52: {  	(v2sf) =	vpush v1, $0xF;
	_ =	sdelay $0xc  }
0x53: {  	s30 =	spop (v2sf)  }
0x54: {  	s20 =	sadd.s32 s30, s20  }
0x55: {  	s22 =	sadd.s32 $0x80000000, s20;
	s31 =	spop (v2sf)  }
0x56: {  	[tilespmem:s22+$0x2000] =	vst.msk vm0, v2;
	s20 =	sadd.s32 s31, s22  }
0x57: {  	v1 =	vld [tilespmem:s21+$0x0];
	s21 =	sadd.s32 $0x80000000, s20  }
0x58: {  	s20 =	sadd.s32 $0xF, s21  }
0x59: {  	s24 =	sshra.s32 s21, $0x4;
	s20 =	sshra.s32 s20, $0x4  }
0x5a: {  	p1 =	sle.s32 s20, s24  }
.Ltmp4:
0x5b: {  	_ = 	snop;
	(pc) =	sbr.rel @p1 .LBB2_9-.Ltmp4, $2  }
0x5c: {  	_ =	sdelay $0x2  }
0x5d: {  	[tilespmem:s22+$0x3000] =	vst.msk vm0, v1  }
0x5e: {  	s22 =	sshll.u32 s24, $0x6  }
0x5f: {  	s22 =	sshra.s32 s22, $0x2  }
0x60: {  	v1 =	vld.msk [tilespmem:$0x3000 ss:$0x0], $0xffff;
	s23 =	sadd.s32 $0x3000, s22  }
0x61: {  	v4 =	vld [tilespmem:s23+$0x0];
	_ =	sdelay $0x1  }
0x62: {  	s25 =	ssub.s32 s20, s24;
	s24 =	sshll.u32 s24, $0x4  }
0x63: {  	v2 =	vmov s21;
	v5 =	vor.u32 s24, v0  }
0x64: {  	vm0 =	vlt.s32 v5, v2  }
0x65: {  	v4 =	vsel vm0, v4, v1  }
0x66: {  	v3 =	vld.msk [tilespmem:$0x2000 ss:$0x0], $0xffff;
	s22 =	sadd.s32 $0x2000, s22;
	[tilespmem:s23+$0x0] =	vst v4  }
0x67: {  	p1 =	seq.s32 s25, $0x1;
	v4 =	vld [tilespmem:s22+$0x0]  }
.Ltmp5:
0x68: {  	_ = 	snop;
	(pc) =	sbr.rel @p1 .LBB2_8-.Ltmp5, $2  }
0x69: {  	_ =	sdelay $0x2  }
0x6a: {  	s25 =	sadd.s32 $0xFFFFFFFF, s25;
	v4 =	vsel vm0, v4, v3  }
.LBB2_7:
0x6b: {  	[tilespmem:s22+$0x0] =	vst v4;
	s23 =	sadd.s32 $0x10, s23;
	s22 =	sadd.s32 $0x10, s22;
	s24 =	sadd.s32 $0x10, s24  }
0x6c: {  	p1 =	seq.s32 s25, $0x1;
	s25 =	sadd.s32 $0xFFFFFFFF, s25;
	v4 =	vld [tilespmem:s23+$0x0];
	_ =	sdelay $0x2  }
0x6d: {  	v5 =	vor.u32 s24, v0  }
0x6e: {  	vm0 =	vlt.s32 v5, v2  }
0x6f: {  	v4 =	vsel vm0, v4, v1  }
0x70: {  	[tilespmem:s23+$0x0] =	vst v4  }
0x71: {  	v4 =	vld [tilespmem:s22+$0x0]  }
.Ltmp6:
0x72: {  	(pc) =	sbr.rel @!p1 .LBB2_7-.Ltmp6, $2  }
0x73: {  	_ =	sdelay $0x2  }
0x74: {  	v4 =	vsel vm0, v4, v3  }
.LBB2_8:
0x75: {  	[tilespmem:s22+$0x0] =	vst v4  }
.LBB2_9:
0x76: {  	p1 =	slt.s32 s20, $0x1  }
.Ltmp7:
0x77: {  	_ = 	snop;
	(pc) =	sbr.rel @p1 .LBB2_12-.Ltmp7, $3  }
0x78: {  	_ =	sdelay $0x1  }
0x79: {  	s22 =	sshra.s32 s21, $0x7  }
0x7a: {  	s21 =	sshll.u32 s22, $0x3  }
0x7b: {  	s25 =	simm.s32 $0x3000  }
0x7c: {  	v1 =	vld [tilespmem:s25+$0x0]  }
0x7d: {  	s23 =	sshll.u32 s22, $0xC;
	p2 =	seq.s32 s20, $0x1  }
.Ltmp8:
0x7e: {  	s23 =	ssub.s32 $0x0, s23;
	(pc) =	sbr.rel @p2 .LBB2_12-.Ltmp8, $4  }
0x7f: {  	s23 =	sshra.s32 s23, $0x2  }
0x80: {  	s24 =	simm.s32 $0x0;
	p1 =	sle.s32 s21, $0x0;
	s23 =	sadd.s32 $0x5000, s23  }
0x81: {  	s26 =	sand.u32 @!p1 $0xFFFFFFF0, s24;
	[tilespmem:s23+$0x0] =	vst @p1 v1  }
0x82: {  	s25 =	simm.s32 $0x1;
	[tilespmem:s26+$0x4000] =	vst @!p1 v1;
	s26 =	simm.s32 $0x3010  }
.LBB2_11:
0x83: {  	v1 =	vld [tilespmem:s26+$0x0];
	s28 =	smov.u32 s25;
	s25 =	sadd.s32 $0x1, s25  }
0x84: {  	p1 =	seq.s32 s20, s25  }
.Ltmp9:
0x85: {  	(pc) =	sbr.rel @!p1 .LBB2_11-.Ltmp9, $4  }
0x86: {  	_ = 	snop  }
0x87: {  	s23 =	sadd.s32 $0x80, s23;
	s24 =	sadd.s32 $0x10, s24;
	p2 =	sge.s32 s28, s21  }
0x88: {  	s28 =	sand.u32 @!p2 $0xFFFFFFF0, s24;
	[tilespmem:s23+$0x0] =	vst @p2 v1  }
0x89: {  	s26 =	sadd.s32 $0x10, s26;
	[tilespmem:s28+$0x4000] =	vst @!p2 v1  }
.LBB2_12:
0x8a: {  	p1 =	sgt.s32 s22, $0x0  }
.Ltmp10:
0x8b: {  	_ = 	snop;
	(pc) =	sbr.rel @!p1 .LBB2_16-.Ltmp10, $1  }
0x8c: {  	_ =	sdelay $0x3  }
0x8d: {  	s24 =	simm.s32 $0x2000  }
0x8e: {  	[tilespmem:s15], [sflag:$0x1] =	stream.indirect.gather [hbm4b:s0+s14], $0x80, s24, s14, $0xb8;
	[tilespmem:$0x147E0] =	vst v63  }
0x8f: {  	p1 =	sne.s32 s22, $0x1;
	_ =	swait.ge [sflag:s13], $0x4000  }
.Ltmp11:
0x90: {  	[sflag:s13] =	ssyncset.done $0x0;
	(pc) =	sbr.rel @!p1 .LBB2_15-.Ltmp11, $4  }
0x91: {  	s23 =	simm.s32 $0x4000;
	[sflag:s13] =	ssyncadd.s32 $0xFFFFC000  }
0x92: {  	[hbm4b:s6+s14] =	stream.indirect.scatter [tilespmem:s15], [sflag:$0x2], $0x80, s23, s14, $0xb8;
	[tilespmem:$0x147E0] =	vst v63  }
0x93: {  	_ =	swait.ge [sflag:s16], $0x4000  }
0x94: {  	s25 =	sadd.s32 $0xFFFFFFFF, s22;
	[sflag:s16] =	ssyncset.done $0x0  }
.LBB2_14:
0x95: {  	[sflag:s16] =	ssyncadd.s32 $0xFFFFC000;
	s23 =	sadd.s32 $0x80, s23;
	s24 =	sadd.s32 $0x80, s24  }
0x96: {  	[tilespmem:s15], [sflag:$0x1] =	stream.indirect.gather [hbm4b:s0+s14], $0x80, s24, s14, $0xb8;
	[tilespmem:$0x147E0] =	vst v63  }
0x97: {  	p1 =	sne.s32 s25, $0x1;
	s25 =	sadd.s32 $0xFFFFFFFF, s25;
	_ =	swait.ge [sflag:s13], $0x4000  }
.Ltmp12:
0x98: {  	[sflag:s13] =	ssyncset.done $0x0;
	(pc) =	sbr.rel @p1 .LBB2_14-.Ltmp12, $4  }
0x99: {  	[sflag:s13] =	ssyncadd.s32 $0xFFFFC000  }
0x9a: {  	[hbm4b:s6+s14] =	stream.indirect.scatter [tilespmem:s15], [sflag:$0x2], $0x80, s23, s14, $0xb8;
	[tilespmem:$0x147E0] =	vst v63  }
0x9b: {  	_ =	swait.ge [sflag:s16], $0x4000  }
0x9c: {  	[sflag:s16] =	ssyncset.done $0x0  }
.LBB2_15:
0x9d: {  	[sflag:s16] =	ssyncadd.s32 $0xFFFFC000  }
.LBB2_16:
0x9e: {  	p1 =	sle.s32 s20, s21  }
.Ltmp13:
0x9f: {  	_ = 	snop;
	(pc) =	sbr.rel @p1 .LBB2_20-.Ltmp13, $1  }
0xa0: {  	_ =	sdelay $0x3  }
0xa1: {  	s22 =	sshll.u32 s22, $0x9  }
0xa2: {  	s22 =	sshra.s32 s22, $0x2  }
0xa3: {  	s21 =	ssub.s32 s20, s21;
	s22 =	sadd.s32 $0x2000, s22  }
0xa4: {  	[tilespmem:s18], [sflag:$0x1] =	stream.indirect.gather [hbm4b:s0+s17], $0x80, s22, s17, $0xb8;
	[tilespmem:$0x147E0] =	vst v63  }
0xa5: {  	p1 =	sne.s32 s21, $0x1;
	_ =	swait.ge [sflag:s13], $0x800  }
.Ltmp14:
0xa6: {  	[sflag:s13] =	ssyncset.done $0x0;
	(pc) =	sbr.rel @!p1 .LBB2_19-.Ltmp14, $4  }
0xa7: {  	s20 =	simm.s32 $0x5000;
	[sflag:s13] =	ssyncadd.s32 $0xFFFFF800  }
0xa8: {  	[hbm4b:s6+s17] =	stream.indirect.scatter [tilespmem:s18], [sflag:$0x2], $0x80, s20, s17, $0xb8;
	[tilespmem:$0x147E0] =	vst v63  }
0xa9: {  	_ =	swait.ge [sflag:s16], $0x800  }
0xaa: {  	s21 =	sadd.s32 $0xFFFFFFFF, s21;
	[sflag:s16] =	ssyncset.done $0x0  }
.LBB2_18:
0xab: {  	[sflag:s16] =	ssyncadd.s32 $0xFFFFF800;
	s22 =	sadd.s32 $0x10, s22;
	s20 =	sadd.s32 $0x80, s20  }
0xac: {  	[tilespmem:s18], [sflag:$0x1] =	stream.indirect.gather [hbm4b:s0+s17], $0x80, s22, s17, $0xb8;
	[tilespmem:$0x147E0] =	vst v63  }
0xad: {  	p1 =	sne.s32 s21, $0x1;
	s21 =	sadd.s32 $0xFFFFFFFF, s21;
	_ =	swait.ge [sflag:s13], $0x800  }
.Ltmp15:
0xae: {  	[sflag:s13] =	ssyncset.done $0x0;
	(pc) =	sbr.rel @p1 .LBB2_18-.Ltmp15, $4  }
0xaf: {  	[sflag:s13] =	ssyncadd.s32 $0xFFFFF800  }
0xb0: {  	[hbm4b:s6+s17] =	stream.indirect.scatter [tilespmem:s18], [sflag:$0x2], $0x80, s20, s17, $0xb8;
	[tilespmem:$0x147E0] =	vst v63  }
0xb1: {  	_ =	swait.ge [sflag:s16], $0x800  }
0xb2: {  	[sflag:s16] =	ssyncset.done $0x0  }
.Ltmp16:
0xb3: {  	_ = 	snop;
	(pc) =	sbr.rel .LBB2_19-.Ltmp16, $1  }
0xb4: {  	_ =	sdelay $0x3  }
.LBB2_21:
0xb5: {  	_ =	sfence.sel $0x180000  }
0xb6: {  	[bflag:$0x0] =	sbarrier.arrive $0xFFFF  }
0xb7: {  	_ =	strace $0x90000050  }
0xb8: {  	s0 =	sadd.s32 @!p0 $0x100000, s1;
	[bflag:$0x2] =	sbarrier.arrive $0xFFFF  }
0xb9: {  	[sflag:s0] =	ssyncadd.tile.s32 @!p0 $0x1;
	_ =	shalt  }
.Lfunc_end2:
_tile_overlayer_lowered:
.L_overlay_start_2:
0xba: {  	(tag) =	ssettag $0x2  }
0xbb: {  	s0 =	rddreg [dreg:$0x0];
	s2 =	stileid.u32  }
0xbc: {  	s1 =	rddreg [dreg:$0x1];
	p0 =	sne.s32 s2, $0x0  }
0xbd: {  	s3 =	rddreg [dreg:$0x2];
	[bflag:$0x3] =	sbarrier.arrive $0xFFFF;
	s2 =	simm.s32 @!p0 $0x1C03  }
0xbe: {  	[timem:s3], [sflag:s2] =	dma.local @!p0 [hbm:s0], s1  }
0xbf: {  	s0 =	simm.s32 @!p0 $0x3  }
0xc0: {  	_ =	swait.ge @!p0 [sflag:s0], s1  }
0xc1: {  	s1 =	ssub.s32 @!p0 $0x0, s1;
	[sflag:s0] =	ssyncset.done @!p0 $0x0  }
0xc2: {  	[sflag:s0] =	ssyncadd.s32 @!p0 s1  }
0xc3: {  	[bflag:$0x3] =	sbarrier.arrive $0xFFFF  }
0xc4: {  	_ =	shalt  }

// kernel: kernel.7.cloned.1.call-start
scs
__scs_entry_jumppad:
0x0: {  	(pc) =	sbr.rel $0x88, $3  }
0x1: {  	(tag) =	ssettag $0x0;
	lr =	simm.s32 $0x1  }
0x2: {  	[smem:$0x3F9F] =	sst lr;
	_ =	strace $0xD0000000  }
0x3: {  	_ = 	snop  }
0x4: {  	_ = 	snop  }
0x5: {  	_ = 	snop  }
0x6: {  	_ = 	snop  }
0x7: {  	_ = 	snop  }
__scs_overlays_trampoline_lowered:
0x8: {  	[smem:$0x3FAE] =	sst s0  }
0x9: {  	[smem:$0x3FAF] =	sst s1  }
0xa: {  	[smem:$0x3FB0] =	sst s2  }
0xb: {  	[smem:$0x3FB1] =	sst s3  }
0xc: {  	[smem:$0x3FB2] =	sst s4  }
0xd: {  	[smem:$0x3FB3] =	sst s5  }
0xe: {  	[smem:$0x3FB4] =	sst s6  }
0xf: {  	[smem:$0x3FB5] =	sst s7  }
0x10: {  	[smem:$0x3FB6] =	sst s8  }
0x11: {  	[smem:$0x3FB7] =	sst s9;
	s0 =	simm.s32 @!p0 $0x0  }
0x12: {  	s1 =	sld [smem:$0x3F9D];
	s0 =	simm.s32 @p0 $0x1  }
0x13: {  	[smem:$0x3FB8] =	sst s0;
	s0 =	simm.s32 @!p1 $0x0  }
0x14: {  	s2 =	sld [smem:$0x3F9C];
	s0 =	simm.s32 @p1 $0x1  }
0x15: {  	[smem:$0x3FB9] =	sst s0;
	s0 =	simm.s32 @!p2 $0x0  }
0x16: {  	s3 =	sld [smem:$0x3FDB];
	s0 =	simm.s32 @p2 $0x1  }
0x17: {  	s4 =	simm.s32 $0x1BF5;
	[smem:$0x3FBB] =	sst s0  }
0x18: {  	s0 =	sld [smem:$0x3F9E];
	_ =	swait.ge [sflag:s4], $0x0  }
0x19: {  	s7 =	sld [smem:$0x3F9F]  }
0x1a: {  	s8 =	sadd.s32 $0xFFFFE003, lr  }
0x1b: {  	s9 =	sadd.s32 $0xFFFFFEF7, lr;
	s5 =	simm.s32 $0xFFFFFFFF;
	p2 =	slt.u32 s8, $0xFFFFF086  }
0x1c: {  	p1 =	slt.u32 s9, $0xF7A;
	s5 =	simm.s32 @!p2 $0x0  }
0x1d: {  	s5 =	simm.s32 @p1 $0x1;
	p0 =	seq.s32 s7, s2  }
0x1e: {  	s7 =	smul.u32 @!p0 $0xF7A, s2;
	p2 =	seq.s32 @!p0 s5, $0x0  }
0x1f: {  	s9 =	smul.u32 $0xF7A, s1;
	s8 =	simm.s32 @!p0 $0x1BF5;
	p2 =	por !p2, p0  }
0x20: {  	[sflag:s8] =	ssyncset.s32 @!p0 $0xFFFFF086;
	s6 =	sadd.s32 @!p0 s3, s7;
	s7 =	simm.s32 @!p0 $0x108  }
0x21: {  	s3 =	sadd.s32 s3, s9;
	s6 =	sadd.s32 @!p0 $0x88, s6;
	s7 =	simm.s32 @p2 $0x1082  }
0x22: {  	[simem:s7], [sflag:s8] =	dma.local @!p0 [hbm:s6], $0xF7A  }
0x23: {  	s9 =	sor.u32 $0xD0000000, s2;
	s6 =	simm.s32 $0x108;
	_ =	swait.ge @!p0 [sflag:s8], $0x0  }
0x24: {  	s3 =	sadd.s32 $0x88, s3;
	s6 =	simm.s32 @!p1 $0x1082;
	[sflag:s4] =	ssyncset.s32 $0xFFFFF086  }
0x25: {  	[simem:s6], [sflag:s4] =	dma.local [hbm:s3], $0xF7A  }
0x26: {  	[smem:$0x3F9F] =	sst s1;
	(tag) =	ssettag s2;
	_ =	strace s9  }
0x27: {  	s1 =	sld [smem:$0x3FAF]  }
0x28: {  	s2 =	sld [smem:$0x3FB0]  }
0x29: {  	s4 =	sld [smem:$0x3FB2]  }
0x2a: {  	p0 =	seq.s32 s5, $0x0;
	s5 =	sld [smem:$0x3FB3]  }
0x2b: {  	s6 =	sld [smem:$0x3FB4]  }
0x2c: {  	s7 =	sld [smem:$0x3FB5]  }
0x2d: {  	s3 =	simm.s32 $0x108;
	s8 =	sld [smem:$0x3FB6]  }
0x2e: {  	s3 =	simm.s32 @!p0 $0x1082;
	s9 =	sld [smem:$0x3FB7]  }
0x2f: {  	lr =	sadd.s32 s0, s3;
	s0 =	sld [smem:$0x3FAE]  }
0x30: {  	s3 =	sld [smem:$0x3FB1]  }
0x31: {  	[smem:$0x3FBA] =	sst s10  }
0x32: {  	s10 =	sld [smem:$0x3FB8];
	_ =	sdelay $0x3  }
0x33: {  	p0 =	seq.s32 s10, $0x1;
	s10 =	sld [smem:$0x3FBA];
	_ =	sdelay $0x3  }
0x34: {  	[smem:$0x3FBA] =	sst s10  }
0x35: {  	s10 =	sld [smem:$0x3FB9];
	_ =	sdelay $0x3  }
0x36: {  	p1 =	seq.s32 s10, $0x1;
	s10 =	sld [smem:$0x3FBA];
	_ =	sdelay $0x3  }
0x37: {  	[smem:$0x3FBA] =	sst s10  }
0x38: {  	s10 =	sld [smem:$0x3FBB]  }
0x39: {  	_ = 	snop;
	(pc) =	sbr.ind lr, $3  }
0x3a: {  	_ = 	snop  }
0x3b: {  	_ = 	snop  }
0x3c: {  	p2 =	seq.s32 s10, $0x1;
	s10 =	sld [smem:$0x3FBA]  }
0x3d: {  	_ =	shalt  }
0x3e: {  	_ =	shalt  }
0x3f: {  	_ =	shalt  }
0x40: {  	_ =	shalt  }
0x41: {  	_ =	shalt  }
0x42: {  	_ =	shalt  }
0x43: {  	_ =	shalt  }
0x44: {  	_ =	shalt  }
0x45: {  	_ =	shalt  }
0x46: {  	_ =	shalt  }
0x47: {  	_ =	shalt  }
0x48: {  	_ =	shalt  }
0x49: {  	_ =	shalt  }
0x4a: {  	_ =	shalt  }
0x4b: {  	_ =	shalt  }
0x4c: {  	_ =	shalt  }
0x4d: {  	_ =	shalt  }
0x4e: {  	_ =	shalt  }
0x4f: {  	_ =	shalt  }
0x50: {  	_ =	shalt  }
0x51: {  	_ =	shalt  }
0x52: {  	_ =	shalt  }
0x53: {  	_ =	shalt  }
0x54: {  	_ =	shalt  }
0x55: {  	_ =	shalt  }
0x56: {  	_ =	shalt  }
0x57: {  	_ =	shalt  }
0x58: {  	_ =	shalt  }
0x59: {  	_ =	shalt  }
0x5a: {  	_ =	shalt  }
0x5b: {  	_ =	shalt  }
0x5c: {  	_ =	shalt  }
0x5d: {  	_ =	shalt  }
0x5e: {  	_ =	shalt  }
0x5f: {  	_ =	shalt  }
0x60: {  	_ =	shalt  }
0x61: {  	_ =	shalt  }
0x62: {  	_ =	shalt  }
0x63: {  	_ =	shalt  }
0x64: {  	_ =	shalt  }
0x65: {  	_ =	shalt  }
0x66: {  	_ =	shalt  }
0x67: {  	_ =	shalt  }
0x68: {  	_ =	shalt  }
0x69: {  	_ =	shalt  }
0x6a: {  	_ =	shalt  }
0x6b: {  	_ =	shalt  }
0x6c: {  	_ =	shalt  }
0x6d: {  	_ =	shalt  }
0x6e: {  	_ =	shalt  }
0x6f: {  	_ =	shalt  }
0x70: {  	_ =	shalt  }
0x71: {  	_ =	shalt  }
0x72: {  	_ =	shalt  }
0x73: {  	_ =	shalt  }
0x74: {  	_ =	shalt  }
0x75: {  	_ =	shalt  }
0x76: {  	_ =	shalt  }
0x77: {  	_ =	shalt  }
0x78: {  	_ =	shalt  }
0x79: {  	_ =	shalt  }
0x7a: {  	_ =	shalt  }
0x7b: {  	_ =	shalt  }
0x7c: {  	_ =	shalt  }
0x7d: {  	_ =	shalt  }
0x7e: {  	_ =	shalt  }
0x7f: {  	_ =	shalt  }
0x80: {  	_ =	shalt  }
0x81: {  	_ =	shalt  }
0x82: {  	_ =	shalt  }
0x83: {  	_ =	shalt  }
0x84: {  	_ =	shalt  }
0x85: {  	_ =	shalt  }
0x86: {  	_ =	shalt  }
0x87: {  	_ =	shalt  }
.Lfunc_end0:
.L_simem_size_0:
called_computation.1_lowered:
.L_overlay_start_0:
0x88: {  	s2 =	sld [smem:$0x3FD9]  }
0x89: {  	s3 =	sld [smem:$0x3FFE];
	_ =	sdelay $0x1  }
0x8a: {  	s1 =	srdreg.scid  }
0x8b: {  	s0 =	sand.u32 $0x1, s1  }
0x8c: {  	s17 =	sshll.u32 s0, $0xA;
	s2 =	sadd.s32 s3, s2  }
0x8d: {  	s2 =	sadd.s32 s2, s17  }
0x8e: {  	[smem:$0x3FC6] =	sst s2  }
0x8f: {  	_ = 	snop  }
0x90: {  	s2 =	sld [smem:$0x3FD0];
	(tm) =	ssettm $0x1  }
0x91: {  	s18 =	sld [smem:$0x3FFB];
	_ =	sdelay $0x3  }
0x92: {  	_ =	strace s18  }
0x93: {  	s3 =	sld [smem:$0x3FFC];
	_ =	sdelay $0x3  }
0x94: {  	_ =	strace s3  }
0x95: {  	s3 =	sld [smem:$0x3FFD];
	_ =	sdelay $0x3  }
0x96: {  	_ =	strace s3  }
0x97: {  	_ =	strace $0x8FFFFFFF  }
0x98: {  	s19 =	sld [smem:$0x3FDB];
	_ =	sdelay $0x1  }
0x99: {  	s4 =	simm.s32 $_scs_section_size  }
0x9a: {  	s5 =	simm.s32 $_size__tile_overlayer_lowered;
	s6 =	simm.s32 $_tile_overlayer_lowered  }
0x9b: {  	s22 =	simm.s32 $0x1BFF;
	s21 =	sshll.u32 s6, $0x1;
	s3 =	sadd.s32 s4, s19  }
0x9c: {  	s7 =	simm.s32 $0x0;
	s20 =	sshll.u32 s5, $0x1;
	s5 =	sadd.s32 s21, s3  }
0x9d: {  	[timem:s7], [sflag:s22] =	dma.local [hbm:s5], s20  }
0x9e: {  	_ =	swait.ge [sflag:s22], s20  }
0x9f: {  	s4 =	ssub.s32 $0x0, s20;
	[sflag:s22] =	ssyncset.done $0x0  }
0xa0: {  	[sflag:s22] =	ssyncadd.s32 s4;
	_ =	sdelay $0x1  }
0xa1: {  	s23 =	simm.s32 $0x1B8B  }
0xa2: {  	_ =	swait.ge [sflag:s23], $0x1  }
0xa3: {  	[sflag:s23] =	ssyncset.done $0x0  }
0xa4: {  	s25 =	simm.s32 $0x1B8E;
	s24 =	sld [smem:$0x3FFE];
	[sflag:s23] =	ssyncadd.s32 $0xFFFFFFFF  }
0xa5: {  	s26 =	simm.s32 $execute0_lowered;
	[smem:$0x3FD2] =	sst s25  }
0xa6: {  	s5 =	sshll.u32 s26, $0x1;
	_ =	strace $0x80000046;
	[dreg:$0x1] =	wrdreg $0xFFFFFFFF  }
0xa7: {  	s28 =	simm.s32 $_size_execute0_lowered;
	s3 =	sadd.s32 s3, s5;
	[dreg:$0x0] =	wrdreg $0x0  }
0xa8: {  	s5 =	sshll.u32 s28, $0x1;
	[dreg:$0x2] =	wrdreg s3  }
0xa9: {  	[dreg:$0x3] =	wrdreg s5  }
0xaa: {  	[dreg:$0x4] =	wrdreg $0xC0  }
0xab: {  	_ =	task [dreg:s7], $0x5FFFF  }
0xac: {  	[dreg:$0x1] =	wrdreg $0xFFFFFFFF  }
0xad: {  	[dreg:$0x0] =	wrdreg $0x60  }
0xae: {  	[dreg:$0x2] =	wrdreg s2  }
0xaf: {  	[dreg:$0x3] =	wrdreg s24  }
0xb0: {  	[dreg:$0x4] =	wrdreg $0xA  }
0xb1: {  	_ =	task.clear_ibuf [dreg:s7], $0x5FFFF;
	_ =	strace $0x90000046  }
0xb2: {  	s29 =	simm.s32 $0xA;
	_ =	strace $0x80000048  }
0xb3: {  	_ =	swait.ge [sflag:s29], $0x1  }
0xb4: {  	[sflag:s29] =	ssyncadd.s32 $0xFFFFFFFF  }
0xb5: {  	_ =	strace $0x90000048  }
0xb6: {  	_ =	sfence  }
0xb7: {  	s30 =	sld [smem:$0x0];
	_ =	sdelay $0x2  }
0xb8: {  	s31 =	sshll.u32 s1, $0xD;
	s1 =	sshrl.u32 s1, $0x2  }
0xb9: {  	s3 =	sand.u32 $0x4000, s31;
	s1 =	sadd.s32 s1, s30  }
0xba: {  	s0 =	sor.u32 s3, s0;
	s1 =	sshll.u32 s1, $0x11  }
0xbb: {  	s0 =	sor.u32 s1, s0  }
0xbc: {  	s0 =	sadd.s32 $0x8F2B, s0  }
0xbd: {  	[sflag:s0] =	ssyncadd.remote.s32 $0x1  }
0xbe: {  	_ =	sfence.sel $0xFFFF  }
0xbf: {  	[dreg:$0x0] =	wrdreg $0xFFFFFFFF;
	(pc) =	sbr.abs _section_cstart, $3  }
0xc0: {  	[dreg:$0x1] =	wrdreg $0xFFFFFFFF  }
0xc1: {  	_ =	task.clear_ibuf [dreg:s7], $0x2FFFF;
	_ =	strace $0x9FFFFFFF  }
0xc2: {  	(tm) =	ssettm $0x7FFFFFFF  }
0xc3: {  	_ =	shalt  }
tec
execute0_lowered:
.L_overlay_start_1:
0x0: {  	(tag) =	ssettag $0x1  }
0x1: {  	s3 =	rddreg [dreg:$0x0]  }
0x2: {  	s4 =	rddreg [dreg:$0x1];
	s1 =	simm.s32 $0x0  }
0x3: {  	[smem:$0x7FF] =	sst s1  }
0x4: {  	s0 =	rddreg [dreg:$0x2];
	v0 =	vimm.f32 $2.000000030e-01;
	_ =	strace $0x80000047  }
0x5: {  	(erf) = vrcp.f32 v0;
	_ =	sdelay $0x2  }
0x6: {  	s5 =	srdreg.scid;
	s2 =	stileid.u32  }
0x7: {  	s9 =	simm.s32 $0x1000;
	s10 =	simm.s32 $0x2000;
	s5 =	sand.u32 $0x1, s5  }
0x8: {  	s6 =	sshll.u32 s2, $0xA;
	s7 =	sshll.u32 s5, $0x9;
	s5 =	ssub.s32 $0x2, s5  }
0x9: {  	s11 =	simm.s32 $0x3000;
	s6 =	sor.u32 s7, s6;
	s31 =	sshrl.u32 s5, $0x1  }
0xa: {  	s12 =	simm.s32 $0x0;
	s8 =	sadd.s32 s6, s4;
	s7 =	ssub.s32 s5, s31  }
0xb: {  	s3 =	sadd.s32 s3, s6;
	s4 =	sadd.s32 $0x5400, s8;
	s5 =	sadd.s32 $0x1400, s8  }
0xc: {  	v1 =	vimm.s32 $0x0;
	s6 =	sadd.s32 $0x9400, s8;
	s7 =	smax.u32 s7, $0x1;
	s8 =	simm.s32 $0x1;
	v0 =	vpop (erf)  }
.LBB2_1:
0xd: {  	[tilespmem:s1], [sflag:$0x1] =	stream.linear.gather [hbm4b:s3+s1], $0x1000, $0x38;
	[tilespmem:$0x4000] =	vst v63  }
0xe: {  	_ =	swait.ge [sflag:s8], $0x1000  }
0xf: {  	[sflag:s8] =	ssyncset.done $0x0  }
0x10: {  	[sflag:s8] =	ssyncadd.s32 $0xFFFFF000  }
0x11: {  	[tilespmem:s9], [sflag:$0x1] =	stream.linear.gather [hbm4b:s4+s1], $0x1000, $0x38;
	[tilespmem:$0x4000] =	vst v63  }
0x12: {  	_ =	swait.ge [sflag:s8], $0x1000  }
0x13: {  	[sflag:s8] =	ssyncset.done $0x0  }
0x14: {  	[sflag:s8] =	ssyncadd.s32 $0xFFFFF000  }
0x15: {  	[tilespmem:s10], [sflag:$0x1] =	stream.linear.gather [hbm4b:s5+s1], $0x1000, $0x38;
	[tilespmem:$0x4000] =	vst v63  }
0x16: {  	_ =	swait.ge [sflag:s8], $0x1000  }
0x17: {  	[sflag:s8] =	ssyncset.done $0x0  }
0x18: {  	s13 =	simm.s32 $0x0;
	[sflag:s8] =	ssyncadd.s32 $0xFFFFF000  }
0x19: {  	v3 =	vld [tilespmem:s13+$0x1000];
	_ =	sdelay $0x1  }
0x1a: {  	v4 =	vld [tilespmem:s13+$0x0];
	_ =	sdelay $0x1  }
0x1b: {  	v2 =	vld [tilespmem:s13+$0x2000]  }
0x1c: {  	v3 =	vsub.f32 $0.0e+00, v3;
	_ =	sdelay $0x1  }
0x1d: {  	v4 =	vsub.f32 $0.0e+00, v4;
	v3 =	vmul.f32 v3, v0;
	_ =	sdelay $0x1  }
0x1e: {  	vm0 =	vge.f32 v2, $-3.000000000e+00;
	v4 =	vmul.f32 v4, v0;
	v3 =	vtrunc.f32 v3  }
0x1f: {  	vm1 =	vge.f32 v2, $-6.000000240e-01;
	vm4 =	vge.f32 v2, $2.000000030e-01;
	v3 =	vcvt.f32.s32 v3  }
0x20: {  	vm3 =	vge.f32 v2, $-2.200000050e+00;
	vm2 =	vge.f32 v2, $-1.399999980e+00;
	v5 =	vtrunc.f32 v4  }
0x21: {  	s14 =	simm.s32 $0x10;
	s15 =	simm.s32 $0x80;
	v5 =	vcvt.f32.s32 v5;
	v4 =	vadd.s32 $0xC8, v3;
	v3 =	vsel vm4, $0x1, v1  }
.LBB2_2:
0x22: {  	p0 =	sne.s32 s15, $0x3FC0;
	v6 =	vld [tilespmem:s14+$0x1000];
	vm4 =	vgt.s32 v4, $0x0;
	v7 =	vsel vm3, $0x1, v1;
	v8 =	vsel vm1, $0x1, v1  }
0x23: {  	v10 =	vsel vm2, $0x1, v1;
	v9 =	vld [tilespmem:s14+$0x0];
	v4 =	vnsel vm4, $0x0, v4;
	v5 =	vadd.s32 $0x160, v5  }
0x24: {  	v7 =	vadd.s32 v10, v7;
	vm1 =	vgt.s32 v5, $0x0;
	v10 =	vmax.u32 v4, $0x18F  }
0x25: {  	v7 =	vadd.s32 v8, v7;
	v5 =	vnsel vm1, $0x0, v5;
	v4 =	vsub.s32 v10, v4  }
0x26: {  	v3 =	vadd.s32 v3, v7;
	v8 =	vld [tilespmem:s14+$0x2000];
	v4 =	vmul.u32 $0x160, v4;
	v7 =	vmax.u32 v5, $0x15F  }
0x27: {  	v3 =	vmul.u32 $0x22600, v3;
	v6 =	vsub.f32 $0.0e+00, v6;
	v5 =	vsub.s32 v7, v5  }
0x28: {  	vm1 =	vlt.f32 v2, $1.000000000e+00;
	v7 =	vsub.f32 $0.0e+00, v9;
	v2 =	vadd.s32 v4, v5  }
0x29: {  	vm0 =	vmand vm0, vm1;
	v4 =	vmul.f32 v6, v0;
	v6 =	vadd.s32 v3, v2  }
.Ltmp0:
0x2a: {  	v5 =	vnsel vm0, $0x40000000, v6;
	(pc) =	sbr.rel @p0 .LBB2_2-.Ltmp0, $4  }
0x2b: {  	v3 =	vtrunc.f32 v4;
	v4 =	vmul.f32 v7, v0;
	vm0 =	vge.f32 v8, $-3.000000000e+00;
	[tilespmem:s13+$0x3000] =	vst v5;
	v2 =	vmovc v8;
	s13 =	smov.u32 s14  }
0x2c: {  	v3 =	vcvt.f32.s32 v3;
	vm1 =	vge.f32 v2, $-6.000000240e-01;
	vm4 =	vge.f32 v2, $2.000000030e-01  }
0x2d: {  	vm3 =	vge.f32 v2, $-2.200000050e+00;
	vm2 =	vge.f32 v2, $-1.399999980e+00;
	v5 =	vtrunc.f32 v4  }
0x2e: {  	s14 =	sshra.s32 s15, $0x2;
	s15 =	sadd.s32 $0x40, s15;
	v4 =	vadd.s32 $0xC8, v3;
	v5 =	vcvt.f32.s32 v5;
	v3 =	vsel vm4, $0x1, v1  }
0x2f: {  	v6 =	vld [tilespmem:s14+$0x1000]  }
0x30: {  	vm4 =	vgt.s32 v4, $0x0  }
0x31: {  	v7 =	vsel vm3, $0x1, v1;
	v8 =	vsel vm1, $0x1, v1;
	v9 =	vld [tilespmem:s14+$0x0];
	v10 =	vsel vm2, $0x1, v1  }
0x32: {  	vm14 =	vlt.f32 v2, $1.000000000e+00;
	v5 =	vadd.s32 $0x160, v5;
	v4 =	vnsel vm4, $0x0, v4  }
0x33: {  	v53 =	vld [tilespmem:s14+$0x2000];
	v7 =	vadd.s32 v10, v7;
	vm0 =	vmand vm0, vm14;
	vm13 =	vgt.s32 v5, $0x0  }
0x34: {  	v52 =	vmax.u32 v4, $0x18F;
	v7 =	vadd.s32 v8, v7;
	v6 =	vsub.f32 $0.0e+00, v6  }
0x35: {  	v5 =	vnsel vm13, $0x0, v5;
	v4 =	vsub.s32 v52, v4;
	v3 =	vadd.s32 v3, v7  }
0x36: {  	v54 =	vmax.u32 v5, $0x15F;
	v55 =	vsub.f32 $0.0e+00, v9;
	v6 =	vmul.f32 v6, v0  }
0x37: {  	v4 =	vmul.u32 $0x160, v4;
	v3 =	vmul.u32 $0x22600, v3;
	v5 =	vsub.s32 v54, v5  }
0x38: {  	vm15 =	vge.f32 v53, $-6.000000240e-01;
	v57 =	vmul.f32 v55, v0;
	v56 =	vtrunc.f32 v6  }
0x39: {  	vm8 =	vge.f32 v53, $2.000000030e-01;
	v2 =	vadd.s32 v4, v5;
	v4 =	vcvt.f32.s32 v56  }
0x3a: {  	vm9 =	vge.f32 v53, $-2.200000050e+00;
	vm10 =	vge.f32 v53, $-1.399999980e+00;
	v5 =	vtrunc.f32 v57  }
0x3b: {  	v58 =	vsel vm8, $0x1, v1;
	v5 =	vcvt.f32.s32 v5;
	v4 =	vadd.s32 $0xC8, v4  }
0x3c: {  	v59 =	vsel vm9, $0x1, v1;
	v60 =	vsel vm15, $0x1, v1;
	vm11 =	vgt.s32 v4, $0x0  }
0x3d: {  	v61 =	vsel vm10, $0x1, v1;
	v5 =	vadd.s32 $0x160, v5;
	v4 =	vnsel vm11, $0x0, v4  }
0x3e: {  	v7 =	vadd.s32 v61, v59;
	vm12 =	vgt.s32 v5, $0x0;
	v62 =	vmax.u32 v4, $0x18F  }
0x3f: {  	v7 =	vadd.s32 v60, v7;
	v5 =	vnsel vm12, $0x0, v5;
	v4 =	vsub.s32 v62, v4  }
0x40: {  	v6 =	vadd.s32 v58, v7;
	v63 =	vmax.u32 v5, $0x15F;
	v4 =	vmul.u32 $0x160, v4  }
0x41: {  	v2 =	vadd.s32 v3, v2;
	v3 =	vmul.u32 $0x22600, v6;
	v5 =	vsub.s32 v63, v5  }
0x42: {  	vm13 =	vge.f32 v53, $-3.000000000e+00;
	vm14 =	vlt.f32 v53, $1.000000000e+00;
	v4 =	vadd.s32 v4, v5  }
0x43: {  	s12 =	sadd.s32 $0x1, s12;
	vm15 =	vmand vm13, vm14;
	v2 =	vnsel vm0, $0x40000000, v2;
	v3 =	vadd.s32 v3, v4  }
0x44: {  	p0 =	sne.s32 s12, s7;
	[tilespmem:s13+$0x3000] =	vst v2;
	v2 =	vnsel vm15, $0x40000000, v3  }
.Ltmp1:
0x45: {  	[tilespmem:s14+$0x3000] =	vst v2;
	(pc) =	sbr.rel @p0 .LBB2_1-.Ltmp1, $4  }
0x46: {  	[hbm4b:s6+s1] =	stream.linear.scatter [tilespmem:s11], [sflag:$0x1], $0x1000, $0x38;
	[tilespmem:$0x4000] =	vst v63  }
0x47: {  	_ =	swait.ge [sflag:s8], $0x1000  }
0x48: {  	[sflag:s8] =	ssyncset.done $0x0  }
0x49: {  	[sflag:s8] =	ssyncadd.s32 $0xFFFFF000  }
0x4a: {  	_ =	sfence.sel $0x180000  }
0x4b: {  	[bflag:$0x0] =	sbarrier.arrive $0xFFFF  }
0x4c: {  	p0 =	sne.s32 s2, $0x0;
	_ =	strace $0x90000047  }
0x4d: {  	s0 =	sadd.s32 @!p0 $0x100000, s0;
	[bflag:$0x2] =	sbarrier.arrive $0xFFFF  }
0x4e: {  	[sflag:s0] =	ssyncadd.tile.s32 @!p0 $0x1;
	_ =	shalt  }
.Lfunc_end2:
_tile_overlayer_lowered:
.L_overlay_start_2:
0x4f: {  	(tag) =	ssettag $0x2  }
0x50: {  	s0 =	rddreg [dreg:$0x0];
	s2 =	stileid.u32  }
0x51: {  	s1 =	rddreg [dreg:$0x1];
	p0 =	sne.s32 s2, $0x0  }
0x52: {  	s3 =	rddreg [dreg:$0x2];
	[bflag:$0x3] =	sbarrier.arrive $0xFFFF;
	s2 =	simm.s32 @!p0 $0x1C01  }
0x53: {  	[timem:s3], [sflag:s2] =	dma.local @!p0 [hbm:s0], s1  }
0x54: {  	s0 =	simm.s32 @!p0 $0x1  }
0x55: {  	_ =	swait.ge @!p0 [sflag:s0], s1  }
0x56: {  	s1 =	ssub.s32 @!p0 $0x0, s1;
	[sflag:s0] =	ssyncset.done @!p0 $0x0  }
0x57: {  	[sflag:s0] =	ssyncadd.s32 @!p0 s1  }
0x58: {  	[bflag:$0x3] =	sbarrier.arrive $0xFFFF  }
0x59: {  	_ =	shalt  }

// kernel: sparse-core-data-format-call.cloned.1.call-start
scs
called_computation_lowered:
.L_overlay_start_0:
0x0: {  	s2 =	sld [smem:$0x3FD9]  }
0x1: {  	s3 =	sld [smem:$0x3FFE];
	_ =	sdelay $0x1  }
0x2: {  	s1 =	srdreg.scid  }
0x3: {  	s0 =	sand.u32 $0x1, s1  }
0x4: {  	s18 =	sshll.u32 s0, $0xA;
	s2 =	sadd.s32 s3, s2  }
0x5: {  	s2 =	sadd.s32 s2, s18  }
0x6: {  	[smem:$0x3FC6] =	sst s2  }
0x7: {  	_ = 	snop  }
0x8: {  	s19 =	sld [smem:$0x3FC9];
	(tm) =	ssettm $0x1  }
0x9: {  	s20 =	sld [smem:$0x3FFB];
	_ =	sdelay $0x3  }
0xa: {  	_ =	strace s20  }
0xb: {  	s2 =	sld [smem:$0x3FFC];
	_ =	sdelay $0x3  }
0xc: {  	_ =	strace s2  }
0xd: {  	s2 =	sld [smem:$0x3FFD];
	_ =	sdelay $0x3  }
0xe: {  	_ =	strace s2  }
0xf: {  	_ =	strace $0x8FFFFFFF  }
0x10: {  	s21 =	sld [smem:$0x3FDB];
	_ =	sdelay $0x1  }
0x11: {  	s4 =	simm.s32 $_scs_section_size  }
0x12: {  	s5 =	simm.s32 $_size__tile_overlayer_lowered;
	s6 =	simm.s32 $_tile_overlayer_lowered  }
0x13: {  	s7 =	simm.s32 $0x1BFF;
	s22 =	sshll.u32 s6, $0x1;
	s4 =	sadd.s32 s4, s21  }
0x14: {  	s23 =	simm.s32 $0x0;
	s5 =	sshll.u32 s5, $0x1;
	s6 =	sadd.s32 s22, s4  }
0x15: {  	[timem:s23], [sflag:s7] =	dma.local [hbm:s6], s5  }
0x16: {  	_ =	swait.ge [sflag:s7], s5  }
0x17: {  	s5 =	ssub.s32 $0x0, s5;
	[sflag:s7] =	ssyncset.done $0x0  }
0x18: {  	[sflag:s7] =	ssyncadd.s32 s5;
	_ =	sdelay $0x1  }
0x19: {  	s24 =	simm.s32 $0x1B8B  }
0x1a: {  	_ =	swait.ge [sflag:s24], $0x1  }
0x1b: {  	[sflag:s24] =	ssyncset.done $0x0  }
0x1c: {  	[sflag:s24] =	ssyncadd.s32 $0xFFFFFFFF  }
0x1d: {  	s5 =	sld [smem:$0x0]  }
0x1e: {  	s6 =	sand.u32 $0xFFFFFFFE, s1  }
0x1f: {  	p0 =	sne.s32 s1, s6  }
0x20: {  	s6 =	sshll.u32 @p0 s6, $0xE  }
0x21: {  	s6 =	sadd.s32 @p0 $0x11B8D, s6;
	s7 =	sshll.u32 @p0 s5, $0x11  }
0x22: {  	s6 =	sor.u32 @p0 s7, s6  }
0x23: {  	[sflag:s6] =	ssyncadd.remote.s32 @p0 $0x1;
	_ =	sdelay $0x1  }
0x24: {  	s6 =	simm.s32 @p0 $0x1B8D  }
0x25: {  	_ =	swait.eq @p0 [sflag:s6], $0x1  }
0x26: {  	[sflag:s6] =	ssyncadd.s32 @p0 $0xFFFFFFFF  }
0x27: {  	s7 =	sshll.u32 @!p0 s1, $0xE  }
0x28: {  	s7 =	sor.u32 @!p0 $0x4000, s7;
	s6 =	simm.s32 @!p0 $0x1B8D  }
0x29: {  	s5 =	sshll.u32 @!p0 s5, $0x11;
	s7 =	sadd.s32 @!p0 $0x11B8D, s7;
	_ =	swait.eq @!p0 [sflag:s6], $0x1  }
0x2a: {  	s5 =	sor.u32 @!p0 s5, s7;
	[sflag:s6] =	ssyncadd.s32 @!p0 $0xFFFFFFFF  }
0x2b: {  	s26 =	simm.s32 $0x1B8E;
	s25 =	sld [smem:$0x3FFE];
	[sflag:s5] =	ssyncadd.remote.s32 @!p0 $0x1  }
0x2c: {  	s27 =	simm.s32 $execute0_lowered;
	[smem:$0x3FD2] =	sst s26  }
0x2d: {  	s6 =	sshll.u32 s27, $0x1;
	_ =	strace $0x80000049;
	[dreg:$0x1] =	wrdreg $0xFFFFFFFF  }
0x2e: {  	s28 =	simm.s32 $_size_execute0_lowered;
	s4 =	sadd.s32 s4, s6;
	[dreg:$0x0] =	wrdreg $0x0  }
0x2f: {  	s6 =	sshll.u32 s28, $0x1;
	[dreg:$0x2] =	wrdreg s4  }
0x30: {  	[dreg:$0x3] =	wrdreg s6  }
0x31: {  	[dreg:$0x4] =	wrdreg $0xC0  }
0x32: {  	_ =	task [dreg:s23], $0x5FFFF  }
0x33: {  	[dreg:$0x1] =	wrdreg $0xFFFFFFFF  }
0x34: {  	[dreg:$0x0] =	wrdreg $0x60  }
0x35: {  	[dreg:$0x2] =	wrdreg s19  }
0x36: {  	[dreg:$0x3] =	wrdreg s25  }
0x37: {  	[dreg:$0x4] =	wrdreg $0x9  }
0x38: {  	_ =	task.clear_ibuf [dreg:s23], $0x5FFFF;
	_ =	strace $0x90000049  }
0x39: {  	s29 =	simm.s32 $0x9;
	_ =	strace $0x8000004B  }
0x3a: {  	_ =	swait.ge [sflag:s29], $0x1  }
0x3b: {  	[sflag:s29] =	ssyncadd.s32 $0xFFFFFFFF  }
0x3c: {  	_ =	strace $0x9000004B  }
0x3d: {  	_ =	sfence  }
0x3e: {  	s30 =	sld [smem:$0x0];
	_ =	sdelay $0x2  }
0x3f: {  	s31 =	sshll.u32 s1, $0xD;
	s1 =	sshrl.u32 s1, $0x2  }
0x40: {  	s4 =	sand.u32 $0x4000, s31;
	s1 =	sadd.s32 s1, s30  }
0x41: {  	s0 =	sor.u32 s4, s0;
	s1 =	sshll.u32 s1, $0x11  }
0x42: {  	s0 =	sor.u32 s1, s0  }
0x43: {  	s0 =	sadd.s32 $0x8F2B, s0  }
0x44: {  	[sflag:s0] =	ssyncadd.remote.s32 $0x1  }
0x45: {  	_ =	sfence.sel $0xFFFF  }
0x46: {  	[dreg:$0x0] =	wrdreg $0xFFFFFFFF;
	(pc) =	sbr.abs _section_cstart, $3  }
0x47: {  	[dreg:$0x1] =	wrdreg $0xFFFFFFFF  }
0x48: {  	_ =	task.clear_ibuf [dreg:s23], $0x2FFFF;
	_ =	strace $0x9FFFFFFF  }
0x49: {  	(tm) =	ssettm $0x7FFFFFFF  }
tec
execute0_lowered:
.L_overlay_start_1:
0x0: {  	(tag) =	ssettag $0x1  }
0x1: {  	s1 =	srdreg.scid;
	s3 =	rddreg [dreg:$0x0]  }
0x2: {  	s0 =	stileid.u32;
	s5 =	rddreg [dreg:$0x1];
	s8 =	simm.s32 $0x2  }
0x3: {  	s16 =	simm.s32 $0x0;
	s9 =	simm.s32 $0x4000;
	s1 =	sshll.u32 s1, $0x4  }
0x4: {  	s10 =	simm.s32 $0x0;
	s17 =	simm.s32 $0x0;
	s1 =	sor.u32 s0, s1  }
0x5: {  	s19 =	simm.s32 $0x0;
	s18 =	simm.s32 $0x0;
	s1 =	sshrl.u32 s1, $0x2  }
0x6: {  	s11 =	simm.s32 $0x0;
	s12 =	simm.s32 $0x0;
	s2 =	sand.u32 $0x6, s1  }
0x7: {  	s15 =	simm.s32 $0x0;
	s26 =	simm.s32 $0x0;
	s4 =	ssub.s32 $0x8, s2  }
0x8: {  	s1 =	rddreg [dreg:$0x2];
	_ =	strace $0x8000004A;
	s6 =	sand.u32 $0x6, s4  }
.Ltmp0:
0x9: {  	p0 =	sne.s32 s6, $0x0;
	s6 =	simm.s32 $0x1;
	(pc) =	sbr.rel .LBB1_1-.Ltmp0, $4  }
0xa: {  	s13 =	smov.u32 s2;
	s7 =	sshrl.u32 s4, $0x3;
	s6 =	simm.s32 @!p0 $0x0  }
0xb: {  	s4 =	sadd.s32 $0xD400, s5;
	s5 =	simm.s32 $0x1;
	s6 =	sadd.s32 s6, s7  }
0xc: {  	[sflag:s5] =	ssyncpa.u1 $0x0;
	s7 =	sand.u32 $0x7, s0;
	s6 =	sshll.u32 s6, $0x4  }
0xd: {  	[sflag:s8] =	ssyncpa.u1 $0x0;
	s14 =	smov.u32 s7;
	s8 =	sor.u32 $0x1, s6  }
.LBB1_7:
0xe: {  	s20 =	sadd.s32 $0x80, s11  }
0xf: {  	s16 =	sadd.s32 $0x40, s12;
	s21 =	smov.u32 s12;
	p1 =	sgt.s32 s20, $0x7FF  }
0x10: {  	s21 =	smov.u32 @p1 s16  }
0x11: {  	s22 =	smov.u32 s13;
	s16 =	sadd.s32 $0x8, s13;
	p2 =	sgt.s32 s21, $0x3F  }
0x12: {  	s22 =	smov.u32 @p2 s16  }
0x13: {  	s23 =	smov.u32 s14;
	s16 =	sadd.s32 $0x8, s14;
	p3 =	sgt.s32 s22, $0x7  }
0x14: {  	p0 =	slt.u32 s15, $0x2;
	s23 =	smov.u32 @p3 s16  }
0x15: {  	s17 =	smov.u32 s12;
	s20 =	simm.s32 @p1 $0x0;
	p1 =	sgt.s32 s23, $0x7  }
0x16: {  	s24 =	simm.s32 @!p0 $0x2;
	s23 =	smov.u32 @p1 s7;
	p1 =	sne.s32 s15, s8  }
.Ltmp1:
0x17: {  	s19 =	smov.u32 s13;
	_ =	swait.ge @!p0 [sflag:s24], $0x4000;
	(pc) =	sbr.rel @!p1 .LBB1_8-.Ltmp1, $4  }
0x18: {  	s18 =	smov.u32 s14;
	[sflag:s24] =	ssyncset.done @!p0 $0x0;
	s21 =	simm.s32 @p2 $0x0  }
0x19: {  	s10 =	sadd.s32 $0x4000, s10;
	[sflag:s24] =	ssyncadd.s32 @!p0 $0xFFFFC000;
	s12 =	smov.u32 s21  }
0x1a: {  	s22 =	smov.u32 @p3 s2;
	s16 =	smov.u32 s11;
	s11 =	smov.u32 s20  }
0x1b: {  	s13 =	smov.u32 s22;
	s15 =	sadd.s32 $0x1, s15;
	s14 =	smov.u32 s23  }
.LBB1_1:
0x1c: {  	p0 =	sge.u32 s15, s6  }
0x1d: {  	s31 =	sadd.s32 $0xFFFFFFFF, s15;
	s20 =	sxor.u32 @!p0 $0xFFFFFFFF, s15;
	s21 =	sand.u32 @!p0 $0x78, s11  }
0x1e: {  	s22 =	sshll.u32 @!p0 s12, $0x7;
	s23 =	sshll.u32 @!p0 s12, $0xB;
	s24 =	sshll.u32 @!p0 s11, $0x3  }
0x1f: {  	s20 =	sshll.u32 @!p0 s20, $0xE;
	s22 =	sand.u32 @!p0 $0x380, s22;
	s23 =	sand.u32 @!p0 $0x1C000, s23  }
0x20: {  	s20 =	sand.u32 @!p0 $0x4000, s20;
	s21 =	sor.u32 @!p0 s22, s21;
	s22 =	sand.u32 @!p0 $0x400, s24  }
0x21: {  	s23 =	sadd.s32 @!p0 s23, s24;
	s21 =	sor.u32 @!p0 s22, s21;
	s22 =	sshll.u32 @!p0 s14, $0x11  }
0x22: {  	s24 =	sshll.u32 @!p0 s13, $0xE;
	s23 =	sshrl.u32 @!p0 s23, $0x3;
	s22 =	sadd.s32 @!p0 s3, s22  }
0x23: {  	s23 =	sand.u32 @!p0 $0x3F00, s23;
	s22 =	sadd.s32 @!p0 s24, s22;
	s24 =	sand.u32 @!p0 $0x7, s11  }
0x24: {  	s21 =	sshrl.u32 @!p0 s21, $0x3;
	s22 =	sadd.s32 @!p0 s23, s22;
	s23 =	sshll.u32 @!p0 s24, $0x12  }
0x25: {  	s21 =	sadd.s32 @!p0 s21, s22;
	s22 =	sor.u32 @!p0 $0x400, s23;
	s23 =	simm.s32 @!p0 $0x4000  }
0x26: {  	[tilespmem:s20], [sflag:$0x1] =	stream.strided.gather @!p0 [hbm4b:s21+s22], $0x4000, s23, s22, $0x38;
	[tilespmem:$0x10000] =	vst v63  }
0x27: {  	p0 =	sge.u32 s31, s6  }
.Ltmp2:
0x28: {  	_ = 	snop;
	(pc) =	sbr.rel @p0 .LBB1_7-.Ltmp2, $1  }
0x29: {  	_ =	sdelay $0x3  }
0x2a: {  	s20 =	sshll.u32 s10, $0x2  }
0x2b: {  	_ =	swait.ge [sflag:s5], $0x4000;
	s21 =	sshll.u32 s15, $0xE;
	s23 =	simm.s32 $0x0  }
0x2c: {  	p1 =	por $0x1, $0x1;
	s20 =	sand.u32 $0x10000, s20;
	[sflag:s5] =	ssyncset.done $0x0  }
0x2d: {  	s21 =	sand.u32 $0x4000, s21;
	s22 =	sshrl.u32 s20, $0x2;
	[sflag:s5] =	ssyncadd.s32 $0xFFFFC000  }
0x2e: {  	s20 =	sor.u32 $0x8000, s21;
	s21 =	sadd.s32 $0x8040, s22;
	s22 =	sadd.s32 $0x40, s22  }
.LBB1_3:
0x2f: {  	s24 =	sshll.u32 s23, $0xD  }
0x30: {  	s24 =	sand.u32 $0x3FFFE000, s24  }
0x31: {  	s24 =	sadd.s32 s24, s22  }
0x32: {  	v0 =	vmov s24;
	_ =	sdelay $0x4  }
0x33: {  	v6 =	vld.idx.msk [tilespmem:v0+s26+$0x30 ss:$0x1], $0xffff  }
0x34: {  	v7 =	vld.idx.msk [tilespmem:v0+s26+$0xFFFFFFC0 ss:$0x1], $0xffff  }
0x35: {  	v1 =	vld.idx.msk [tilespmem:v0+s26+$0xFFFFFFD0 ss:$0x1], $0xffff  }
0x36: {  	s31 =	sshll.u32 s23, $0x7;
	v2 =	vld.idx.msk [tilespmem:v0+s26+$0xFFFFFFE0 ss:$0x1], $0xffff  }
0x37: {  	s23 =	sand.u32 $0x3FFFFF80, s31;
	v3 =	vld.idx.msk [tilespmem:v0+s26+$0xFFFFFFF0 ss:$0x1], $0xffff  }
0x38: {  	s23 =	sadd.s32 s23, s21;
	v4 =	vld.idx.msk [tilespmem:v0+s26+$0x0 ss:$0x1], $0xffff  }
0x39: {  	v5 =	vld.idx.msk [tilespmem:v0+s26+$0x10 ss:$0x1], $0xffff;
	[tilespmem:s23+$0x30] =	vst v6  }
0x3a: {  	p0 =	por p1, p1;
	s25 =	simm.s32 $0x400;
	s24 =	simm.s32 $0x80;
	[tilespmem:s23+$0xFFFFFFC0] =	vst v7;
	v6 =	vld.idx.msk [tilespmem:v0+s26+$0x20 ss:$0x1], $0xffff  }
.LBB1_4:
0x3b: {  	p1 =	sne.s32 s25, $0x7E00;
	v7 =	vld.idx.msk [tilespmem:v0+s24+$0x30 ss:$0x1], $0xffff;
	[tilespmem:s23+$0xFFFFFFD0] =	vst v1  }
0x3c: {  	v8 =	vld.idx.msk [tilespmem:v0+s24+$0xFFFFFFC0 ss:$0x1], $0xffff;
	[tilespmem:s23+$0xFFFFFFE0] =	vst v2  }
0x3d: {  	v1 =	vld.idx.msk [tilespmem:v0+s24+$0xFFFFFFD0 ss:$0x1], $0xffff;
	[tilespmem:s23+$0xFFFFFFF0] =	vst v3  }
.Ltmp3:
0x3e: {  	v2 =	vld.idx.msk [tilespmem:v0+s24+$0xFFFFFFE0 ss:$0x1], $0xffff;
	[tilespmem:s23+$0x0] =	vst v4;
	(pc) =	sbr.rel @p1 .LBB1_4-.Ltmp3, $4  }
0x3f: {  	v3 =	vld.idx.msk [tilespmem:v0+s24+$0xFFFFFFF0 ss:$0x1], $0xffff;
	[tilespmem:s23+$0x10] =	vst v5  }
0x40: {  	v4 =	vld.idx.msk [tilespmem:v0+s24+$0x0 ss:$0x1], $0xffff;
	[tilespmem:s23+$0x20] =	vst v6;
	s23 =	sadd.s32 $0x100, s23  }
0x41: {  	v5 =	vld.idx.msk [tilespmem:v0+s24+$0x10 ss:$0x1], $0xffff;
	[tilespmem:s23+$0x30] =	vst v7  }
0x42: {  	[tilespmem:s23+$0xFFFFFFC0] =	vst v8;
	v6 =	vld.idx.msk [tilespmem:v0+s24+$0x20 ss:$0x1], $0xffff;
	s24 =	sshra.s32 s25, $0x2;
	s25 =	sadd.s32 $0x200, s25  }
0x43: {  	_ =	sdelay $0x2  }
0x44: {  	[tilespmem:s23+$0xFFFFFFD0] =	vst v1  }
0x45: {  	v56 =	vld.idx.msk [tilespmem:v0+s24+$0x30 ss:$0x1], $0xffff;
	[tilespmem:s23+$0xFFFFFFE0] =	vst v2  }
0x46: {  	v57 =	vld.idx.msk [tilespmem:v0+s24+$0xFFFFFFC0 ss:$0x1], $0xffff;
	[tilespmem:s23+$0xFFFFFFF0] =	vst v3  }
0x47: {  	v58 =	vld.idx.msk [tilespmem:v0+s24+$0xFFFFFFD0 ss:$0x1], $0xffff;
	[tilespmem:s23+$0x0] =	vst v4  }
0x48: {  	v59 =	vld.idx.msk [tilespmem:v0+s24+$0xFFFFFFE0 ss:$0x1], $0xffff;
	[tilespmem:s23+$0x10] =	vst v5  }
0x49: {  	v60 =	vld.idx.msk [tilespmem:v0+s24+$0xFFFFFFF0 ss:$0x1], $0xffff;
	s31 =	sadd.s32 $0x100, s23;
	[tilespmem:s23+$0x20] =	vst v6  }
0x4a: {  	v61 =	vld.idx.msk [tilespmem:v0+s24+$0x0 ss:$0x1], $0xffff;
	[tilespmem:s31+$0x30] =	vst v56  }
0x4b: {  	v62 =	vld.idx.msk [tilespmem:v0+s24+$0x10 ss:$0x1], $0xffff;
	[tilespmem:s31+$0xFFFFFFC0] =	vst v57  }
0x4c: {  	v63 =	vld.idx.msk [tilespmem:v0+s24+$0x20 ss:$0x1], $0xffff;
	[tilespmem:s31+$0xFFFFFFD0] =	vst v58  }
.Ltmp4:
0x4d: {  	[tilespmem:s31+$0xFFFFFFE0] =	vst v59;
	(pc) =	sbr.rel @p0 .LBB1_3-.Ltmp4, $4  }
0x4e: {  	[tilespmem:s31+$0xFFFFFFF0] =	vst v60  }
0x4f: {  	[tilespmem:s31+$0x0] =	vst v61  }
0x50: {  	[tilespmem:s31+$0x10] =	vst v62  }
0x51: {  	p1 =	por $0x0, $0x0;
	s23 =	simm.s32 $0x1;
	[tilespmem:s31+$0x20] =	vst v63  }
0x52: {  	s19 =	sshll.u32 s19, $0x7;
	s21 =	sand.u32 $0x78, s16  }
0x53: {  	s22 =	sshll.u32 s16, $0x3;
	s18 =	sshll.u32 s18, $0x11;
	s17 =	sshll.u32 s17, $0xB  }
0x54: {  	s29 =	sand.u32 $0x700, s16;
	s19 =	sand.u32 $0x380, s19;
	s22 =	sand.u32 $0x400, s22  }
.Ltmp5:
0x55: {  	s18 =	sadd.s32 s4, s18;
	s19 =	sor.u32 s19, s21;
	(pc) =	sbr.rel .LBB1_7-.Ltmp5, $4  }
0x56: {  	s30 =	sand.u32 $0x7, s16;
	s17 =	sadd.s32 s17, s18;
	s19 =	sor.u32 s22, s19  }
0x57: {  	s16 =	sshll.u32 s30, $0x12;
	s17 =	sadd.s32 s29, s17;
	s31 =	sshrl.u32 s19, $0x3  }
0x58: {  	s16 =	sor.u32 $0x100, s16;
	s17 =	sadd.s32 s31, s17  }
0x59: {  	[hbm4b:s17+s16] =	stream.strided.scatter [tilespmem:s20], [sflag:$0x2], $0x4000, s9, s16, $0x38;
	[tilespmem:$0x10000] =	vst v63  }
.LBB1_8:
0x5a: {  	_ =	sfence.sel $0x180000  }
0x5b: {  	s2 =	simm.s32 $0x1;
	[bflag:$0x0] =	sbarrier.arrive $0xFFFF  }
0x5c: {  	s31 =	simm.s32 $0x2;
	[sflag:s2] =	ssyncpa.u1 $0x1  }
0x5d: {  	[sflag:s31] =	ssyncpa.u1 $0x1  }
0x5e: {  	p0 =	sne.s32 s0, $0x0;
	_ =	strace $0x9000004A  }
0x5f: {  	s0 =	sadd.s32 @!p0 $0x100000, s1;
	[bflag:$0x2] =	sbarrier.arrive $0xFFFF  }
0x60: {  	[sflag:s0] =	ssyncadd.tile.s32 @!p0 $0x1;
	_ =	shalt  }
.Lfunc_end1:
_tile_overlayer_lowered:
.L_overlay_start_2:
0x61: {  	(tag) =	ssettag $0x2  }
0x62: {  	s0 =	rddreg [dreg:$0x0];
	s2 =	stileid.u32  }
0x63: {  	s1 =	rddreg [dreg:$0x1];
	p0 =	sne.s32 s2, $0x0  }
0x64: {  	s3 =	rddreg [dreg:$0x2];
	[bflag:$0x3] =	sbarrier.arrive $0xFFFF;
	s2 =	simm.s32 @!p0 $0x1C01  }
0x65: {  	[timem:s3], [sflag:s2] =	dma.local @!p0 [hbm:s0], s1  }
0x66: {  	s0 =	simm.s32 @!p0 $0x1  }
0x67: {  	_ =	swait.ge @!p0 [sflag:s0], s1  }
0x68: {  	s1 =	ssub.s32 @!p0 $0x0, s1;
	[sflag:s0] =	ssyncset.done @!p0 $0x0  }
0x69: {  	[sflag:s0] =	ssyncadd.s32 @!p0 s1  }
0x6a: {  	[bflag:$0x3] =	sbarrier.arrive $0xFFFF  }
0x6b: {  	_ =	shalt  }

</sc_bundles>
